<compile_context>
chip_gen: v7x
topology: tpu7x:2x2x1
jax: 0.10.2.dev20260603
libtpu: 0.0.44.dev20260713+nightly
codegen_flags: <defaults>
</compile_context>

<pallas_src>
import functools

import jax
import jax.numpy as jnp
from jax import lax
from jax.experimental import pallas as pl
from jax.experimental.pallas import tpu as pltpu
from jax.experimental.pallas import tpu_sc as plsc

_STIFF = 100.0
_GRAV = 9.81
_DT = 0.01
_STEPS = 50
_N = 64

_DNUMS = lax.GatherDimensionNumbers(
    offset_dims=(), collapsed_slice_dims=(0,), start_index_map=(0,))


def _dg(v, idx):
    return lax.gather(v, idx[:, None], _DNUMS, (1,),
                      mode=lax.GatherScatterMode.PROMISE_IN_BOUNDS)


def _sim_body(pv_hbm, o_hbm, pvxy, oxy):
    ci = lax.axis_index("c")
    si = lax.axis_index("s")

    @pl.when(jnp.logical_and(ci == 0, si == 0))
    def _():
        pltpu.sync_copy(pv_hbm, pvxy)
        lanes = lax.iota(jnp.int32, 16)
        zeros = jnp.zeros((16,), jnp.int32)
        up = _dg(lanes + 1, jnp.where(lanes == 15, 0, lanes))
        down = jnp.where(lanes == 0, 0, lanes - 1)
        fifteen = zeros + 15
        pin = lanes == 0
        pad = lanes == 15

        xs, ys, vxs, vys = [], [], [], []
        for c in range(4):
            p2 = 2 * lanes + (32 * c)
            row = jnp.where(pin, 0, p2 - 2) if c == 0 else p2 - 2
            gx = plsc.load_gather(pvxy, [row])
            gy = plsc.load_gather(pvxy, [row + 1])
            if c == 0:
                gx = jnp.where(pin, 0.0, gx)
                gy = jnp.where(pin, 0.0, gy)
            xs.append(gx)
            ys.append(gy)
            vxs.append(plsc.load_gather(pvxy, [p2 + 126]))
            vys.append(plsc.load_gather(pvxy, [p2 + 127]))

        dt2 = _DT * _DT

        def step(_, carry):
            xs, ys, vxs, vys = [list(t) for t in carry]
            fs, pxs, pys, vgys = [], [], [], []
            for c in range(4):
                xn = _dg(xs[c], up)
                yn = _dg(ys[c], up)
                if c < 3:
                    xn = jnp.where(pad, _dg(xs[c + 1], zeros), xn)
                    yn = jnp.where(pad, _dg(ys[c + 1], zeros), yn)
                dx = xn - xs[c]
                dy = yn - ys[c]
                d2 = dx * dx + dy * dy
                i = lax.bitcast_convert_type(d2, jnp.int32)
                r = lax.bitcast_convert_type(
                    jnp.int32(0x5F3759DF) - (i >> 1), jnp.float32)
                h = 0.5 * d2
                r = r * (1.5 - h * r * r)
                r = r * (1.5 - h * r * r)
                dist = d2 * r
                coef = (_STIFF * dist - _STIFF) / (dist + 1e-6)
                fxa = coef * dx
                fya = coef * dy
                if c == 3:
                    fxa = jnp.where(pad, 0.0, fxa)
                    fya = jnp.where(pad, 0.0, fya)
                fs.append((fxa, fya))
                pxs.append(xs[c] + vxs[c] * _DT)
                pys.append(ys[c] + vys[c] * _DT - _GRAV * dt2)
                vgys.append(vys[c] - _GRAV * _DT)
            for c in range(4):
                smx = _dg(fs[c][0], down)
                smy = _dg(fs[c][1], down)
                if c == 0:
                    gx = jnp.where(pin, 0.0, fs[c][0] - smx)
                    gy = fs[c][1] - jnp.where(pin, fs[c][1], smy)
                else:
                    fmx = jnp.where(pin, _dg(fs[c - 1][0], fifteen), smx)
                    fmy = jnp.where(pin, _dg(fs[c - 1][1], fifteen), smy)
                    gx = fs[c][0] - fmx
                    gy = fs[c][1] - fmy
                nvx = vxs[c] + gx * _DT
                nvy = vgys[c] + gy * _DT
                nx = pxs[c] + gx * dt2
                ny = pys[c] + gy * dt2
                if c == 0:
                    nvy = jnp.where(pin, 0.0, nvy)
                    ny = jnp.where(pin, 0.0, ny)
                xs[c], ys[c], vxs[c], vys[c] = nx, ny, nvx, nvy
            return tuple(tuple(t) for t in (xs, ys, vxs, vys))

        xs, ys, vxs, vys = lax.fori_loop(
            0, _STEPS, step, tuple(tuple(t) for t in (xs, ys, vxs, vys)),
            unroll=False)
        del vxs, vys
        for c in range(4):
            p2 = 2 * lanes + (32 * c)
            plsc.store_scatter(oxy, [p2], xs[c])
            plsc.store_scatter(oxy, [p2 + 1], ys[c])
        pltpu.sync_copy(oxy, o_hbm)


_sim = functools.partial(
    pl.kernel,
    mesh=plsc.VectorSubcoreMesh(core_axis_name="c", subcore_axis_name="s"),
    compiler_params=pltpu.CompilerParams(needs_layout_passes=False),
    out_type=jax.ShapeDtypeStruct((2 * _N,), jnp.float32),
    scratch_types=[
        pltpu.VMEM((254,), jnp.float32),
        pltpu.VMEM((2 * _N,), jnp.float32),
    ],
)(_sim_body)


def kernel(initial_positions_rest, velocities, steps):
    del steps
    pv = jnp.concatenate([
        initial_positions_rest.astype(jnp.float32).reshape(-1),
        velocities.astype(jnp.float32).reshape(-1),
    ])
    return _sim(pv).reshape(_N, 2)

# --- scband reference (transcript-rebuilt; emitter-appended) ---
"""Pipeline reference for scband-mass-spring-system-50603304682183 (READ-ONLY COPY).

The authoritative reference and input builder live on the scoring server;
editing this copy changes nothing except your own understanding.
"""

import jax, jax.numpy as jnp
import numpy as np

NUM_PARTICLES = 64
SPRINGS_I = np.arange(NUM_PARTICLES - 1, dtype=np.int32)
SPRINGS_J = SPRINGS_I + 1
REST = np.full(NUM_PARTICLES - 1, 1.0, dtype=np.float32)
STIFF = np.full(NUM_PARTICLES - 1, 100.0, dtype=np.float32)
MASS = 1.0
DT = 0.01
GRAVITY = 9.81


def setup_inputs(seed: int = 0) -> dict:
    key = jax.random.key(seed)
    initial_positions_rest = jax.random.normal(key, (NUM_PARTICLES - 1, 2), dtype=jnp.float32)
    velocities = jnp.zeros((NUM_PARTICLES, 2), dtype=jnp.float32)
    return {"initial_positions_rest": initial_positions_rest, "velocities": velocities, "steps": 50}


def reference(initial_positions_rest, velocities, steps):
    i_idx = jnp.asarray(SPRINGS_I)
    j_idx = jnp.asarray(SPRINGS_J)
    rest = jnp.asarray(REST)
    stiff = jnp.asarray(STIFF)
    init0 = jnp.zeros((2,), dtype=jnp.float32)
    positions = jnp.concatenate([init0[None, :], initial_positions_rest], axis=0)
    vel = velocities

    def body(_, carry):
        positions, vel = carry
        xi = positions[i_idx]
        xj = positions[j_idx]
        dir_vec = xj - xi
        dist = jnp.linalg.norm(dir_vec, axis=1)
        force = (stiff * (dist - rest))[:, None] * dir_vec / (dist + 1e-06)[:, None]
        forces = jnp.zeros_like(positions)
        forces = forces.at[i_idx].add(force)
        forces = forces.at[j_idx].add(-force)
        forces = forces.at[:, 1].add(-GRAVITY * MASS)
        acceleration = forces / MASS
        vel = vel + acceleration * DT
        positions = positions + vel * DT
        positions = positions.at[0].set(init0)
        vel = vel.at[0].set(jnp.zeros((2,), dtype=jnp.float32))
        return (positions, vel)

    positions, vel = jax.lax.fori_loop(0, steps, body, (positions, vel))
    return positions

if __name__ == "__main__":
    import jax
    _d = setup_inputs()
    print(jax.jit(kernel)(*tuple(_d.values())))

</pallas_src>

<mosaic_0001>
#map = affine_map<(d0, d1) -> (0)>
module attributes {stable_mosaic.version = 14 : i64} {
  func.func @_sim_body(%arg0: i32, %arg1: i32, %arg2: memref<254xf32, #tpu.memory_space<hbm>>, %arg3: memref<128xf32, #tpu.memory_space<hbm>>, %arg4: memref<254xf32, #tpu.memory_space<vmem>>, %arg5: memref<128xf32, #tpu.memory_space<vmem>>) attributes {dimension_semantics = [#tpu.dimension_semantics<core_parallel>, #tpu.dimension_semantics<subcore_parallel>], iteration_bounds = array<i64: 2, 16>, scalar_prefetch = 0 : i64, scratch_operands = 2 : i64, tpu.core_type = #tpu.core_type<sc_vector_subcore>, window_params = [{transform_indices = #map}, {transform_indices = #map}]} {
    %eq3A = arith.constant 0 : i32
    %eq3A_0 = arith.cmpi eq, %arg0, %eq3A : i32
    %eq3A_1 = arith.constant 0 : i32
    %eq3A_2 = arith.cmpi eq, %arg1, %eq3A_1 : i32
    %and3A = arith.andi %eq3A_0, %eq3A_2 : i1
    %convert_element_type3A = arith.extui %and3A : i1 to i32
    %cond3A = arith.constant 0 : i32
    %cond3A_3 = arith.cmpi ne, %convert_element_type3A, %cond3A : i32
    scf.if %cond3A_3 {
      "tpu.region"() ({
        %run_scoped3A = tpu.sem_alloc : memref<!tpu.dma_semaphore, #tpu.memory_space<semaphore_mem>>
        tpu.enqueue_dma source(%arg2 : memref<254xf32, #tpu.memory_space<hbm>>) target(%arg4 : memref<254xf32, #tpu.memory_space<vmem>>) target_semaphore(%run_scoped3A : memref<!tpu.dma_semaphore, #tpu.memory_space<semaphore_mem>>)
        tpu.wait_dma2 semaphore(%run_scoped3A : memref<!tpu.dma_semaphore, #tpu.memory_space<semaphore_mem>>) src(%arg2 : memref<254xf32, #tpu.memory_space<hbm>>) dst(%arg4 : memref<254xf32, #tpu.memory_space<vmem>>)
        tpu.yield
      }) : () -> ()
      %iota3A = tpu.iota {dimensions = array<i32: 0>} : vector<16xi32>
      %broadcast_in_dim3A = arith.constant 0 : i32
      %broadcast_in_dim3A_4 = vector.broadcast %broadcast_in_dim3A : i32 to vector<16xi32>
      %add3A = arith.constant 1 : i32
      %add3A_5 = vector.broadcast %add3A : i32 to vector<16xi32>
      %add3A_6 = arith.addi %iota3A, %add3A_5 : vector<16xi32>
      %eq3A_7 = arith.constant 15 : i32
      %eq3A_8 = vector.broadcast %eq3A_7 : i32 to vector<16xi32>
      %eq3A_9 = arith.cmpi eq, %iota3A, %eq3A_8 : vector<16xi32>
      %jit3A = arith.constant 0 : i32
      %broadcast_in_dim3A_10 = vector.broadcast %jit3A : i32 to vector<16xi32>
      %select_n3A = arith.select %eq3A_9, %broadcast_in_dim3A_10, %iota3A : vector<16xi1>, vector<16xi32>
      %broadcast_in_dim3A_11 = vector.shape_cast %select_n3A : vector<16xi32> to vector<16x1xi32>
      %gather3A = vector.shape_cast %broadcast_in_dim3A_11 : vector<16x1xi32> to vector<16xi32>
      %gather3A_12 = tpu.dynamic_gather %add3A_6[%gather3A] in [0] : vector<16xi32>, vector<16xi32> -> vector<16xi32>
      %eq3A_13 = arith.constant 0 : i32
      %eq3A_14 = vector.broadcast %eq3A_13 : i32 to vector<16xi32>
      %eq3A_15 = arith.cmpi eq, %iota3A, %eq3A_14 : vector<16xi32>
      %sub3A = arith.constant 1 : i32
      %sub3A_16 = vector.broadcast %sub3A : i32 to vector<16xi32>
      %sub3A_17 = arith.subi %iota3A, %sub3A_16 : vector<16xi32>
      %jit3A_18 = arith.constant 0 : i32
      %broadcast_in_dim3A_19 = vector.broadcast %jit3A_18 : i32 to vector<16xi32>
      %select_n3A_20 = arith.select %eq3A_15, %broadcast_in_dim3A_19, %sub3A_17 : vector<16xi1>, vector<16xi32>
      %add3A_21 = arith.constant 15 : i32
      %add3A_22 = vector.broadcast %add3A_21 : i32 to vector<16xi32>
      %add3A_23 = arith.addi %broadcast_in_dim3A_4, %add3A_22 : vector<16xi32>
      %eq3A_24 = arith.constant 0 : i32
      %eq3A_25 = vector.broadcast %eq3A_24 : i32 to vector<16xi32>
      %eq3A_26 = arith.cmpi eq, %iota3A, %eq3A_25 : vector<16xi32>
      %eq3A_27 = arith.constant 15 : i32
      %eq3A_28 = vector.broadcast %eq3A_27 : i32 to vector<16xi32>
      %eq3A_29 = arith.cmpi eq, %iota3A, %eq3A_28 : vector<16xi32>
      %mul3A = arith.constant 2 : i32
      %mul3A_30 = vector.broadcast %mul3A : i32 to vector<16xi32>
      %mul3A_31 = arith.muli %mul3A_30, %iota3A : vector<16xi32>
      %add3A_32 = arith.constant 0 : i32
      %add3A_33 = vector.broadcast %add3A_32 : i32 to vector<16xi32>
      %add3A_34 = arith.addi %mul3A_31, %add3A_33 : vector<16xi32>
      %sub3A_35 = arith.constant 2 : i32
      %sub3A_36 = vector.broadcast %sub3A_35 : i32 to vector<16xi32>
      %sub3A_37 = arith.subi %add3A_34, %sub3A_36 : vector<16xi32>
      %jit3A_38 = arith.constant 0 : i32
      %broadcast_in_dim3A_39 = vector.broadcast %jit3A_38 : i32 to vector<16xi32>
      %select_n3A_40 = arith.select %eq3A_26, %broadcast_in_dim3A_39, %sub3A_37 : vector<16xi1>, vector<16xi32>
      %gather3A_41 = tpu.vector_load_idx %arg4[%select_n3A_40] : memref<254xf32, #tpu.memory_space<vmem>>[vector<16xi32>], vector<16xf32>,
      %add3A_42 = arith.constant 1 : i32
      %add3A_43 = vector.broadcast %add3A_42 : i32 to vector<16xi32>
      %add3A_44 = arith.addi %select_n3A_40, %add3A_43 : vector<16xi32>
      %gather3A_45 = tpu.vector_load_idx %arg4[%add3A_44] : memref<254xf32, #tpu.memory_space<vmem>>[vector<16xi32>], vector<16xf32>,
      %jit3A_46 = arith.constant 0.000000e+00 : f32
      %broadcast_in_dim3A_47 = vector.broadcast %jit3A_46 : f32 to vector<16xf32>
      %select_n3A_48 = arith.select %eq3A_26, %broadcast_in_dim3A_47, %gather3A_41 : vector<16xi1>, vector<16xf32>
      %jit3A_49 = arith.constant 0.000000e+00 : f32
      %broadcast_in_dim3A_50 = vector.broadcast %jit3A_49 : f32 to vector<16xf32>
      %select_n3A_51 = arith.select %eq3A_26, %broadcast_in_dim3A_50, %gather3A_45 : vector<16xi1>, vector<16xf32>
      %add3A_52 = arith.constant 126 : i32
      %add3A_53 = vector.broadcast %add3A_52 : i32 to vector<16xi32>
      %add3A_54 = arith.addi %add3A_34, %add3A_53 : vector<16xi32>
      %gather3A_55 = tpu.vector_load_idx %arg4[%add3A_54] : memref<254xf32, #tpu.memory_space<vmem>>[vector<16xi32>], vector<16xf32>,
      %add3A_56 = arith.constant 127 : i32
      %add3A_57 = vector.broadcast %add3A_56 : i32 to vector<16xi32>
      %add3A_58 = arith.addi %add3A_34, %add3A_57 : vector<16xi32>
      %gather3A_59 = tpu.vector_load_idx %arg4[%add3A_58] : memref<254xf32, #tpu.memory_space<vmem>>[vector<16xi32>], vector<16xf32>,
      %mul3A_60 = arith.constant 2 : i32
      %mul3A_61 = vector.broadcast %mul3A_60 : i32 to vector<16xi32>
      %mul3A_62 = arith.muli %mul3A_61, %iota3A : vector<16xi32>
      %add3A_63 = arith.constant 32 : i32
      %add3A_64 = vector.broadcast %add3A_63 : i32 to vector<16xi32>
      %add3A_65 = arith.addi %mul3A_62, %add3A_64 : vector<16xi32>
      %sub3A_66 = arith.constant 2 : i32
      %sub3A_67 = vector.broadcast %sub3A_66 : i32 to vector<16xi32>
      %sub3A_68 = arith.subi %add3A_65, %sub3A_67 : vector<16xi32>
      %gather3A_69 = tpu.vector_load_idx %arg4[%sub3A_68] : memref<254xf32, #tpu.memory_space<vmem>>[vector<16xi32>], vector<16xf32>,
      %add3A_70 = arith.constant 1 : i32
      %add3A_71 = vector.broadcast %add3A_70 : i32 to vector<16xi32>
      %add3A_72 = arith.addi %sub3A_68, %add3A_71 : vector<16xi32>
      %gather3A_73 = tpu.vector_load_idx %arg4[%add3A_72] : memref<254xf32, #tpu.memory_space<vmem>>[vector<16xi32>], vector<16xf32>,
      %add3A_74 = arith.constant 126 : i32
      %add3A_75 = vector.broadcast %add3A_74 : i32 to vector<16xi32>
      %add3A_76 = arith.addi %add3A_65, %add3A_75 : vector<16xi32>
      %gather3A_77 = tpu.vector_load_idx %arg4[%add3A_76] : memref<254xf32, #tpu.memory_space<vmem>>[vector<16xi32>], vector<16xf32>,
      %add3A_78 = arith.constant 127 : i32
      %add3A_79 = vector.broadcast %add3A_78 : i32 to vector<16xi32>
      %add3A_80 = arith.addi %add3A_65, %add3A_79 : vector<16xi32>
      %gather3A_81 = tpu.vector_load_idx %arg4[%add3A_80] : memref<254xf32, #tpu.memory_space<vmem>>[vector<16xi32>], vector<16xf32>,
      %mul3A_82 = arith.constant 2 : i32
      %mul3A_83 = vector.broadcast %mul3A_82 : i32 to vector<16xi32>
      %mul3A_84 = arith.muli %mul3A_83, %iota3A : vector<16xi32>
      %add3A_85 = arith.constant 64 : i32
      %add3A_86 = vector.broadcast %add3A_85 : i32 to vector<16xi32>
      %add3A_87 = arith.addi %mul3A_84, %add3A_86 : vector<16xi32>
      %sub3A_88 = arith.constant 2 : i32
      %sub3A_89 = vector.broadcast %sub3A_88 : i32 to vector<16xi32>
      %sub3A_90 = arith.subi %add3A_87, %sub3A_89 : vector<16xi32>
      %gather3A_91 = tpu.vector_load_idx %arg4[%sub3A_90] : memref<254xf32, #tpu.memory_space<vmem>>[vector<16xi32>], vector<16xf32>,
      %add3A_92 = arith.constant 1 : i32
      %add3A_93 = vector.broadcast %add3A_92 : i32 to vector<16xi32>
      %add3A_94 = arith.addi %sub3A_90, %add3A_93 : vector<16xi32>
      %gather3A_95 = tpu.vector_load_idx %arg4[%add3A_94] : memref<254xf32, #tpu.memory_space<vmem>>[vector<16xi32>], vector<16xf32>,
      %add3A_96 = arith.constant 126 : i32
      %add3A_97 = vector.broadcast %add3A_96 : i32 to vector<16xi32>
      %add3A_98 = arith.addi %add3A_87, %add3A_97 : vector<16xi32>
      %gather3A_99 = tpu.vector_load_idx %arg4[%add3A_98] : memref<254xf32, #tpu.memory_space<vmem>>[vector<16xi32>], vector<16xf32>,
      %add3A_100 = arith.constant 127 : i32
      %add3A_101 = vector.broadcast %add3A_100 : i32 to vector<16xi32>
      %add3A_102 = arith.addi %add3A_87, %add3A_101 : vector<16xi32>
      %gather3A_103 = tpu.vector_load_idx %arg4[%add3A_102] : memref<254xf32, #tpu.memory_space<vmem>>[vector<16xi32>], vector<16xf32>,
      %mul3A_104 = arith.constant 2 : i32
      %mul3A_105 = vector.broadcast %mul3A_104 : i32 to vector<16xi32>
      %mul3A_106 = arith.muli %mul3A_105, %iota3A : vector<16xi32>
      %add3A_107 = arith.constant 96 : i32
      %add3A_108 = vector.broadcast %add3A_107 : i32 to vector<16xi32>
      %add3A_109 = arith.addi %mul3A_106, %add3A_108 : vector<16xi32>
      %sub3A_110 = arith.constant 2 : i32
      %sub3A_111 = vector.broadcast %sub3A_110 : i32 to vector<16xi32>
      %sub3A_112 = arith.subi %add3A_109, %sub3A_111 : vector<16xi32>
      %gather3A_113 = tpu.vector_load_idx %arg4[%sub3A_112] : memref<254xf32, #tpu.memory_space<vmem>>[vector<16xi32>], vector<16xf32>,
      %add3A_114 = arith.constant 1 : i32
      %add3A_115 = vector.broadcast %add3A_114 : i32 to vector<16xi32>
      %add3A_116 = arith.addi %sub3A_112, %add3A_115 : vector<16xi32>
      %gather3A_117 = tpu.vector_load_idx %arg4[%add3A_116] : memref<254xf32, #tpu.memory_space<vmem>>[vector<16xi32>], vector<16xf32>,
      %add3A_118 = arith.constant 126 : i32
      %add3A_119 = vector.broadcast %add3A_118 : i32 to vector<16xi32>
      %add3A_120 = arith.addi %add3A_109, %add3A_119 : vector<16xi32>
      %gather3A_121 = tpu.vector_load_idx %arg4[%add3A_120] : memref<254xf32, #tpu.memory_space<vmem>>[vector<16xi32>], vector<16xf32>,
      %add3A_122 = arith.constant 127 : i32
      %add3A_123 = vector.broadcast %add3A_122 : i32 to vector<16xi32>
      %add3A_124 = arith.addi %add3A_109, %add3A_123 : vector<16xi32>
      %gather3A_125 = tpu.vector_load_idx %arg4[%add3A_124] : memref<254xf32, #tpu.memory_space<vmem>>[vector<16xi32>], vector<16xf32>,
      %scan3A = arith.constant 0 : i32
      %scan3A_126 = arith.constant 50 : i32
      %scan3A_127 = arith.addi %scan3A, %scan3A_126 : i32
      %scan3A_128 = arith.constant 1 : i32
      %scan3A_129:16 = scf.for %scan3A_167 = %scan3A to %scan3A_127 step %scan3A_128 iter_args(%scan3A_168 = %select_n3A_48, %scan3A_169 = %gather3A_69, %scan3A_170 = %gather3A_91, %scan3A_171 = %gather3A_113, %scan3A_172 = %select_n3A_51, %scan3A_173 = %gather3A_73, %scan3A_174 = %gather3A_95, %scan3A_175 = %gather3A_117, %scan3A_176 = %gather3A_55, %scan3A_177 = %gather3A_77, %scan3A_178 = %gather3A_99, %scan3A_179 = %gather3A_121, %scan3A_180 = %gather3A_59, %scan3A_181 = %gather3A_81, %scan3A_182 = %gather3A_103, %scan3A_183 = %gather3A_125) -> (vector<16xf32>, vector<16xf32>, vector<16xf32>, vector<16xf32>, vector<16xf32>, vector<16xf32>, vector<16xf32>, vector<16xf32>, vector<16xf32>, vector<16xf32>, vector<16xf32>, vector<16xf32>, vector<16xf32>, vector<16xf32>, vector<16xf32>, vector<16xf32>)  : i32 {
        %broadcast_in_dim3A_184 = vector.shape_cast %gather3A_12 : vector<16xi32> to vector<16x1xi32>
        %gather3A_185 = vector.shape_cast %broadcast_in_dim3A_184 : vector<16x1xi32> to vector<16xi32>
        %gather3A_186 = tpu.dynamic_gather %scan3A_168[%gather3A_185] in [0] : vector<16xf32>, vector<16xi32> -> vector<16xf32>
        %broadcast_in_dim3A_187 = vector.shape_cast %gather3A_12 : vector<16xi32> to vector<16x1xi32>
        %gather3A_188 = vector.shape_cast %broadcast_in_dim3A_187 : vector<16x1xi32> to vector<16xi32>
        %gather3A_189 = tpu.dynamic_gather %scan3A_172[%gather3A_188] in [0] : vector<16xf32>, vector<16xi32> -> vector<16xf32>
        %broadcast_in_dim3A_190 = vector.shape_cast %broadcast_in_dim3A_4 : vector<16xi32> to vector<16x1xi32>
        %gather3A_191 = vector.shape_cast %broadcast_in_dim3A_190 : vector<16x1xi32> to vector<16xi32>
        %gather3A_192 = tpu.dynamic_gather %scan3A_169[%gather3A_191] in [0] : vector<16xf32>, vector<16xi32> -> vector<16xf32>
        %select_n3A_193 = arith.select %eq3A_29, %gather3A_192, %gather3A_186 : vector<16xi1>, vector<16xf32>
        %broadcast_in_dim3A_194 = vector.shape_cast %broadcast_in_dim3A_4 : vector<16xi32> to vector<16x1xi32>
        %gather3A_195 = vector.shape_cast %broadcast_in_dim3A_194 : vector<16x1xi32> to vector<16xi32>
        %gather3A_196 = tpu.dynamic_gather %scan3A_173[%gather3A_195] in [0] : vector<16xf32>, vector<16xi32> -> vector<16xf32>
        %select_n3A_197 = arith.select %eq3A_29, %gather3A_196, %gather3A_189 : vector<16xi1>, vector<16xf32>
        %sub3A_198 = arith.subf %select_n3A_193, %scan3A_168 : vector<16xf32>
        %sub3A_199 = arith.subf %select_n3A_197, %scan3A_172 : vector<16xf32>
        %mul3A_200 = arith.mulf %sub3A_198, %sub3A_198 : vector<16xf32>
        %mul3A_201 = arith.mulf %sub3A_199, %sub3A_199 : vector<16xf32>
        %add3A_202 = arith.addf %mul3A_200, %mul3A_201 : vector<16xf32>
        %bitcast_convert_type3A = tpu.bitcast %add3A_202 : vector<16xf32> -> vector<16xi32>
        %shift_right_arithmetic3A = arith.constant 1 : i32
        %shift_right_arithmetic3A_203 = vector.broadcast %shift_right_arithmetic3A : i32 to vector<16xi32>
        %shift_right_arithmetic3A_204 = arith.shrsi %bitcast_convert_type3A, %shift_right_arithmetic3A_203 : vector<16xi32>
        %sub3A_205 = arith.constant 1597463007 : i32
        %sub3A_206 = vector.broadcast %sub3A_205 : i32 to vector<16xi32>
        %sub3A_207 = arith.subi %sub3A_206, %shift_right_arithmetic3A_204 : vector<16xi32>
        %bitcast_convert_type3A_208 = tpu.bitcast %sub3A_207 : vector<16xi32> -> vector<16xf32>
        %mul3A_209 = arith.constant 5.000000e-01 : f32
        %mul3A_210 = vector.broadcast %mul3A_209 : f32 to vector<16xf32>
        %mul3A_211 = arith.mulf %mul3A_210, %add3A_202 : vector<16xf32>
        %mul3A_212 = arith.mulf %mul3A_211, %bitcast_convert_type3A_208 : vector<16xf32>
        %mul3A_213 = arith.mulf %mul3A_212, %bitcast_convert_type3A_208 : vector<16xf32>
        %sub3A_214 = arith.constant 1.500000e+00 : f32
        %sub3A_215 = vector.broadcast %sub3A_214 : f32 to vector<16xf32>
        %sub3A_216 = arith.subf %sub3A_215, %mul3A_213 : vector<16xf32>
        %mul3A_217 = arith.mulf %bitcast_convert_type3A_208, %sub3A_216 : vector<16xf32>
        %mul3A_218 = arith.mulf %mul3A_211, %mul3A_217 : vector<16xf32>
        %mul3A_219 = arith.mulf %mul3A_218, %mul3A_217 : vector<16xf32>
        %sub3A_220 = arith.constant 1.500000e+00 : f32
        %sub3A_221 = vector.broadcast %sub3A_220 : f32 to vector<16xf32>
        %sub3A_222 = arith.subf %sub3A_221, %mul3A_219 : vector<16xf32>
        %mul3A_223 = arith.mulf %mul3A_217, %sub3A_222 : vector<16xf32>
        %mul3A_224 = arith.mulf %add3A_202, %mul3A_223 : vector<16xf32>
        %mul3A_225 = arith.constant 1.000000e+02 : f32
        %mul3A_226 = vector.broadcast %mul3A_225 : f32 to vector<16xf32>
        %mul3A_227 = arith.mulf %mul3A_226, %mul3A_224 : vector<16xf32>
        %sub3A_228 = arith.constant 1.000000e+02 : f32
        %sub3A_229 = vector.broadcast %sub3A_228 : f32 to vector<16xf32>
        %sub3A_230 = arith.subf %mul3A_227, %sub3A_229 : vector<16xf32>
        %add3A_231 = arith.constant 9.99999997E-7 : f32
        %add3A_232 = vector.broadcast %add3A_231 : f32 to vector<16xf32>
        %add3A_233 = arith.addf %mul3A_224, %add3A_232 : vector<16xf32>
        %div3A = arith.divf %sub3A_230, %add3A_233 : vector<16xf32>
        %mul3A_234 = arith.mulf %div3A, %sub3A_198 : vector<16xf32>
        %mul3A_235 = arith.mulf %div3A, %sub3A_199 : vector<16xf32>
        %mul3A_236 = arith.constant 0.00999999977 : f32
        %mul3A_237 = vector.broadcast %mul3A_236 : f32 to vector<16xf32>
        %mul3A_238 = arith.mulf %scan3A_176, %mul3A_237 : vector<16xf32>
        %add3A_239 = arith.addf %scan3A_168, %mul3A_238 : vector<16xf32>
        %mul3A_240 = arith.constant 0.00999999977 : f32
        %mul3A_241 = vector.broadcast %mul3A_240 : f32 to vector<16xf32>
        %mul3A_242 = arith.mulf %scan3A_180, %mul3A_241 : vector<16xf32>
        %add3A_243 = arith.addf %scan3A_172, %mul3A_242 : vector<16xf32>
        %sub3A_244 = arith.constant 9.810000e-04 : f32
        %sub3A_245 = vector.broadcast %sub3A_244 : f32 to vector<16xf32>
        %sub3A_246 = arith.subf %add3A_243, %sub3A_245 : vector<16xf32>
        %sub3A_247 = arith.constant 0.0980999991 : f32
        %sub3A_248 = vector.broadcast %sub3A_247 : f32 to vector<16xf32>
        %sub3A_249 = arith.subf %scan3A_180, %sub3A_248 : vector<16xf32>
        %broadcast_in_dim3A_250 = vector.shape_cast %gather3A_12 : vector<16xi32> to vector<16x1xi32>
        %gather3A_251 = vector.shape_cast %broadcast_in_dim3A_250 : vector<16x1xi32> to vector<16xi32>
        %gather3A_252 = tpu.dynamic_gather %scan3A_169[%gather3A_251] in [0] : vector<16xf32>, vector<16xi32> -> vector<16xf32>
        %broadcast_in_dim3A_253 = vector.shape_cast %gather3A_12 : vector<16xi32> to vector<16x1xi32>
        %gather3A_254 = vector.shape_cast %broadcast_in_dim3A_253 : vector<16x1xi32> to vector<16xi32>
        %gather3A_255 = tpu.dynamic_gather %scan3A_173[%gather3A_254] in [0] : vector<16xf32>, vector<16xi32> -> vector<16xf32>
        %broadcast_in_dim3A_256 = vector.shape_cast %broadcast_in_dim3A_4 : vector<16xi32> to vector<16x1xi32>
        %gather3A_257 = vector.shape_cast %broadcast_in_dim3A_256 : vector<16x1xi32> to vector<16xi32>
        %gather3A_258 = tpu.dynamic_gather %scan3A_170[%gather3A_257] in [0] : vector<16xf32>, vector<16xi32> -> vector<16xf32>
        %select_n3A_259 = arith.select %eq3A_29, %gather3A_258, %gather3A_252 : vector<16xi1>, vector<16xf32>
        %broadcast_in_dim3A_260 = vector.shape_cast %broadcast_in_dim3A_4 : vector<16xi32> to vector<16x1xi32>
        %gather3A_261 = vector.shape_cast %broadcast_in_dim3A_260 : vector<16x1xi32> to vector<16xi32>
        %gather3A_262 = tpu.dynamic_gather %scan3A_174[%gather3A_261] in [0] : vector<16xf32>, vector<16xi32> -> vector<16xf32>
        %select_n3A_263 = arith.select %eq3A_29, %gather3A_262, %gather3A_255 : vector<16xi1>, vector<16xf32>
        %sub3A_264 = arith.subf %select_n3A_259, %scan3A_169 : vector<16xf32>
        %sub3A_265 = arith.subf %select_n3A_263, %scan3A_173 : vector<16xf32>
        %mul3A_266 = arith.mulf %sub3A_264, %sub3A_264 : vector<16xf32>
        %mul3A_267 = arith.mulf %sub3A_265, %sub3A_265 : vector<16xf32>
        %add3A_268 = arith.addf %mul3A_266, %mul3A_267 : vector<16xf32>
        %bitcast_convert_type3A_269 = tpu.bitcast %add3A_268 : vector<16xf32> -> vector<16xi32>
        %shift_right_arithmetic3A_270 = arith.constant 1 : i32
        %shift_right_arithmetic3A_271 = vector.broadcast %shift_right_arithmetic3A_270 : i32 to vector<16xi32>
        %shift_right_arithmetic3A_272 = arith.shrsi %bitcast_convert_type3A_269, %shift_right_arithmetic3A_271 : vector<16xi32>
        %sub3A_273 = arith.constant 1597463007 : i32
        %sub3A_274 = vector.broadcast %sub3A_273 : i32 to vector<16xi32>
        %sub3A_275 = arith.subi %sub3A_274, %shift_right_arithmetic3A_272 : vector<16xi32>
        %bitcast_convert_type3A_276 = tpu.bitcast %sub3A_275 : vector<16xi32> -> vector<16xf32>
        %mul3A_277 = arith.constant 5.000000e-01 : f32
        %mul3A_278 = vector.broadcast %mul3A_277 : f32 to vector<16xf32>
        %mul3A_279 = arith.mulf %mul3A_278, %add3A_268 : vector<16xf32>
        %mul3A_280 = arith.mulf %mul3A_279, %bitcast_convert_type3A_276 : vector<16xf32>
        %mul3A_281 = arith.mulf %mul3A_280, %bitcast_convert_type3A_276 : vector<16xf32>
        %sub3A_282 = arith.constant 1.500000e+00 : f32
        %sub3A_283 = vector.broadcast %sub3A_282 : f32 to vector<16xf32>
        %sub3A_284 = arith.subf %sub3A_283, %mul3A_281 : vector<16xf32>
        %mul3A_285 = arith.mulf %bitcast_convert_type3A_276, %sub3A_284 : vector<16xf32>
        %mul3A_286 = arith.mulf %mul3A_279, %mul3A_285 : vector<16xf32>
        %mul3A_287 = arith.mulf %mul3A_286, %mul3A_285 : vector<16xf32>
        %sub3A_288 = arith.constant 1.500000e+00 : f32
        %sub3A_289 = vector.broadcast %sub3A_288 : f32 to vector<16xf32>
        %sub3A_290 = arith.subf %sub3A_289, %mul3A_287 : vector<16xf32>
        %mul3A_291 = arith.mulf %mul3A_285, %sub3A_290 : vector<16xf32>
        %mul3A_292 = arith.mulf %add3A_268, %mul3A_291 : vector<16xf32>
        %mul3A_293 = arith.constant 1.000000e+02 : f32
        %mul3A_294 = vector.broadcast %mul3A_293 : f32 to vector<16xf32>
        %mul3A_295 = arith.mulf %mul3A_294, %mul3A_292 : vector<16xf32>
        %sub3A_296 = arith.constant 1.000000e+02 : f32
        %sub3A_297 = vector.broadcast %sub3A_296 : f32 to vector<16xf32>
        %sub3A_298 = arith.subf %mul3A_295, %sub3A_297 : vector<16xf32>
        %add3A_299 = arith.constant 9.99999997E-7 : f32
        %add3A_300 = vector.broadcast %add3A_299 : f32 to vector<16xf32>
        %add3A_301 = arith.addf %mul3A_292, %add3A_300 : vector<16xf32>
        %div3A_302 = arith.divf %sub3A_298, %add3A_301 : vector<16xf32>
        %mul3A_303 = arith.mulf %div3A_302, %sub3A_264 : vector<16xf32>
        %mul3A_304 = arith.mulf %div3A_302, %sub3A_265 : vector<16xf32>
        %mul3A_305 = arith.constant 0.00999999977 : f32
        %mul3A_306 = vector.broadcast %mul3A_305 : f32 to vector<16xf32>
        %mul3A_307 = arith.mulf %scan3A_177, %mul3A_306 : vector<16xf32>
        %add3A_308 = arith.addf %scan3A_169, %mul3A_307 : vector<16xf32>
        %mul3A_309 = arith.constant 0.00999999977 : f32
        %mul3A_310 = vector.broadcast %mul3A_309 : f32 to vector<16xf32>
        %mul3A_311 = arith.mulf %scan3A_181, %mul3A_310 : vector<16xf32>
        %add3A_312 = arith.addf %scan3A_173, %mul3A_311 : vector<16xf32>
        %sub3A_313 = arith.constant 9.810000e-04 : f32
        %sub3A_314 = vector.broadcast %sub3A_313 : f32 to vector<16xf32>
        %sub3A_315 = arith.subf %add3A_312, %sub3A_314 : vector<16xf32>
        %sub3A_316 = arith.constant 0.0980999991 : f32
        %sub3A_317 = vector.broadcast %sub3A_316 : f32 to vector<16xf32>
        %sub3A_318 = arith.subf %scan3A_181, %sub3A_317 : vector<16xf32>
        %broadcast_in_dim3A_319 = vector.shape_cast %gather3A_12 : vector<16xi32> to vector<16x1xi32>
        %gather3A_320 = vector.shape_cast %broadcast_in_dim3A_319 : vector<16x1xi32> to vector<16xi32>
        %gather3A_321 = tpu.dynamic_gather %scan3A_170[%gather3A_320] in [0] : vector<16xf32>, vector<16xi32> -> vector<16xf32>
        %broadcast_in_dim3A_322 = vector.shape_cast %gather3A_12 : vector<16xi32> to vector<16x1xi32>
        %gather3A_323 = vector.shape_cast %broadcast_in_dim3A_322 : vector<16x1xi32> to vector<16xi32>
        %gather3A_324 = tpu.dynamic_gather %scan3A_174[%gather3A_323] in [0] : vector<16xf32>, vector<16xi32> -> vector<16xf32>
        %broadcast_in_dim3A_325 = vector.shape_cast %broadcast_in_dim3A_4 : vector<16xi32> to vector<16x1xi32>
        %gather3A_326 = vector.shape_cast %broadcast_in_dim3A_325 : vector<16x1xi32> to vector<16xi32>
        %gather3A_327 = tpu.dynamic_gather %scan3A_171[%gather3A_326] in [0] : vector<16xf32>, vector<16xi32> -> vector<16xf32>
        %select_n3A_328 = arith.select %eq3A_29, %gather3A_327, %gather3A_321 : vector<16xi1>, vector<16xf32>
        %broadcast_in_dim3A_329 = vector.shape_cast %broadcast_in_dim3A_4 : vector<16xi32> to vector<16x1xi32>
        %gather3A_330 = vector.shape_cast %broadcast_in_dim3A_329 : vector<16x1xi32> to vector<16xi32>
        %gather3A_331 = tpu.dynamic_gather %scan3A_175[%gather3A_330] in [0] : vector<16xf32>, vector<16xi32> -> vector<16xf32>
        %select_n3A_332 = arith.select %eq3A_29, %gather3A_331, %gather3A_324 : vector<16xi1>, vector<16xf32>
        %sub3A_333 = arith.subf %select_n3A_328, %scan3A_170 : vector<16xf32>
        %sub3A_334 = arith.subf %select_n3A_332, %scan3A_174 : vector<16xf32>
        %mul3A_335 = arith.mulf %sub3A_333, %sub3A_333 : vector<16xf32>
        %mul3A_336 = arith.mulf %sub3A_334, %sub3A_334 : vector<16xf32>
        %add3A_337 = arith.addf %mul3A_335, %mul3A_336 : vector<16xf32>
        %bitcast_convert_type3A_338 = tpu.bitcast %add3A_337 : vector<16xf32> -> vector<16xi32>
        %shift_right_arithmetic3A_339 = arith.constant 1 : i32
        %shift_right_arithmetic3A_340 = vector.broadcast %shift_right_arithmetic3A_339 : i32 to vector<16xi32>
        %shift_right_arithmetic3A_341 = arith.shrsi %bitcast_convert_type3A_338, %shift_right_arithmetic3A_340 : vector<16xi32>
        %sub3A_342 = arith.constant 1597463007 : i32
        %sub3A_343 = vector.broadcast %sub3A_342 : i32 to vector<16xi32>
        %sub3A_344 = arith.subi %sub3A_343, %shift_right_arithmetic3A_341 : vector<16xi32>
        %bitcast_convert_type3A_345 = tpu.bitcast %sub3A_344 : vector<16xi32> -> vector<16xf32>
        %mul3A_346 = arith.constant 5.000000e-01 : f32
        %mul3A_347 = vector.broadcast %mul3A_346 : f32 to vector<16xf32>
        %mul3A_348 = arith.mulf %mul3A_347, %add3A_337 : vector<16xf32>
        %mul3A_349 = arith.mulf %mul3A_348, %bitcast_convert_type3A_345 : vector<16xf32>
        %mul3A_350 = arith.mulf %mul3A_349, %bitcast_convert_type3A_345 : vector<16xf32>
        %sub3A_351 = arith.constant 1.500000e+00 : f32
        %sub3A_352 = vector.broadcast %sub3A_351 : f32 to vector<16xf32>
        %sub3A_353 = arith.subf %sub3A_352, %mul3A_350 : vector<16xf32>
        %mul3A_354 = arith.mulf %bitcast_convert_type3A_345, %sub3A_353 : vector<16xf32>
        %mul3A_355 = arith.mulf %mul3A_348, %mul3A_354 : vector<16xf32>
        %mul3A_356 = arith.mulf %mul3A_355, %mul3A_354 : vector<16xf32>
        %sub3A_357 = arith.constant 1.500000e+00 : f32
        %sub3A_358 = vector.broadcast %sub3A_357 : f32 to vector<16xf32>
        %sub3A_359 = arith.subf %sub3A_358, %mul3A_356 : vector<16xf32>
        %mul3A_360 = arith.mulf %mul3A_354, %sub3A_359 : vector<16xf32>
        %mul3A_361 = arith.mulf %add3A_337, %mul3A_360 : vector<16xf32>
        %mul3A_362 = arith.constant 1.000000e+02 : f32
        %mul3A_363 = vector.broadcast %mul3A_362 : f32 to vector<16xf32>
        %mul3A_364 = arith.mulf %mul3A_363, %mul3A_361 : vector<16xf32>
        %sub3A_365 = arith.constant 1.000000e+02 : f32
        %sub3A_366 = vector.broadcast %sub3A_365 : f32 to vector<16xf32>
        %sub3A_367 = arith.subf %mul3A_364, %sub3A_366 : vector<16xf32>
        %add3A_368 = arith.constant 9.99999997E-7 : f32
        %add3A_369 = vector.broadcast %add3A_368 : f32 to vector<16xf32>
        %add3A_370 = arith.addf %mul3A_361, %add3A_369 : vector<16xf32>
        %div3A_371 = arith.divf %sub3A_367, %add3A_370 : vector<16xf32>
        %mul3A_372 = arith.mulf %div3A_371, %sub3A_333 : vector<16xf32>
        %mul3A_373 = arith.mulf %div3A_371, %sub3A_334 : vector<16xf32>
        %mul3A_374 = arith.constant 0.00999999977 : f32
        %mul3A_375 = vector.broadcast %mul3A_374 : f32 to vector<16xf32>
        %mul3A_376 = arith.mulf %scan3A_178, %mul3A_375 : vector<16xf32>
        %add3A_377 = arith.addf %scan3A_170, %mul3A_376 : vector<16xf32>
        %mul3A_378 = arith.constant 0.00999999977 : f32
        %mul3A_379 = vector.broadcast %mul3A_378 : f32 to vector<16xf32>
        %mul3A_380 = arith.mulf %scan3A_182, %mul3A_379 : vector<16xf32>
        %add3A_381 = arith.addf %scan3A_174, %mul3A_380 : vector<16xf32>
        %sub3A_382 = arith.constant 9.810000e-04 : f32
        %sub3A_383 = vector.broadcast %sub3A_382 : f32 to vector<16xf32>
        %sub3A_384 = arith.subf %add3A_381, %sub3A_383 : vector<16xf32>
        %sub3A_385 = arith.constant 0.0980999991 : f32
        %sub3A_386 = vector.broadcast %sub3A_385 : f32 to vector<16xf32>
        %sub3A_387 = arith.subf %scan3A_182, %sub3A_386 : vector<16xf32>
        %broadcast_in_dim3A_388 = vector.shape_cast %gather3A_12 : vector<16xi32> to vector<16x1xi32>
        %gather3A_389 = vector.shape_cast %broadcast_in_dim3A_388 : vector<16x1xi32> to vector<16xi32>
        %gather3A_390 = tpu.dynamic_gather %scan3A_171[%gather3A_389] in [0] : vector<16xf32>, vector<16xi32> -> vector<16xf32>
        %broadcast_in_dim3A_391 = vector.shape_cast %gather3A_12 : vector<16xi32> to vector<16x1xi32>
        %gather3A_392 = vector.shape_cast %broadcast_in_dim3A_391 : vector<16x1xi32> to vector<16xi32>
        %gather3A_393 = tpu.dynamic_gather %scan3A_175[%gather3A_392] in [0] : vector<16xf32>, vector<16xi32> -> vector<16xf32>
        %sub3A_394 = arith.subf %gather3A_390, %scan3A_171 : vector<16xf32>
        %sub3A_395 = arith.subf %gather3A_393, %scan3A_175 : vector<16xf32>
        %mul3A_396 = arith.mulf %sub3A_394, %sub3A_394 : vector<16xf32>
        %mul3A_397 = arith.mulf %sub3A_395, %sub3A_395 : vector<16xf32>
        %add3A_398 = arith.addf %mul3A_396, %mul3A_397 : vector<16xf32>
        %bitcast_convert_type3A_399 = tpu.bitcast %add3A_398 : vector<16xf32> -> vector<16xi32>
        %shift_right_arithmetic3A_400 = arith.constant 1 : i32
        %shift_right_arithmetic3A_401 = vector.broadcast %shift_right_arithmetic3A_400 : i32 to vector<16xi32>
        %shift_right_arithmetic3A_402 = arith.shrsi %bitcast_convert_type3A_399, %shift_right_arithmetic3A_401 : vector<16xi32>
        %sub3A_403 = arith.constant 1597463007 : i32
        %sub3A_404 = vector.broadcast %sub3A_403 : i32 to vector<16xi32>
        %sub3A_405 = arith.subi %sub3A_404, %shift_right_arithmetic3A_402 : vector<16xi32>
        %bitcast_convert_type3A_406 = tpu.bitcast %sub3A_405 : vector<16xi32> -> vector<16xf32>
        %mul3A_407 = arith.constant 5.000000e-01 : f32
        %mul3A_408 = vector.broadcast %mul3A_407 : f32 to vector<16xf32>
        %mul3A_409 = arith.mulf %mul3A_408, %add3A_398 : vector<16xf32>
        %mul3A_410 = arith.mulf %mul3A_409, %bitcast_convert_type3A_406 : vector<16xf32>
        %mul3A_411 = arith.mulf %mul3A_410, %bitcast_convert_type3A_406 : vector<16xf32>
        %sub3A_412 = arith.constant 1.500000e+00 : f32
        %sub3A_413 = vector.broadcast %sub3A_412 : f32 to vector<16xf32>
        %sub3A_414 = arith.subf %sub3A_413, %mul3A_411 : vector<16xf32>
        %mul3A_415 = arith.mulf %bitcast_convert_type3A_406, %sub3A_414 : vector<16xf32>
        %mul3A_416 = arith.mulf %mul3A_409, %mul3A_415 : vector<16xf32>
        %mul3A_417 = arith.mulf %mul3A_416, %mul3A_415 : vector<16xf32>
        %sub3A_418 = arith.constant 1.500000e+00 : f32
        %sub3A_419 = vector.broadcast %sub3A_418 : f32 to vector<16xf32>
        %sub3A_420 = arith.subf %sub3A_419, %mul3A_417 : vector<16xf32>
        %mul3A_421 = arith.mulf %mul3A_415, %sub3A_420 : vector<16xf32>
        %mul3A_422 = arith.mulf %add3A_398, %mul3A_421 : vector<16xf32>
        %mul3A_423 = arith.constant 1.000000e+02 : f32
        %mul3A_424 = vector.broadcast %mul3A_423 : f32 to vector<16xf32>
        %mul3A_425 = arith.mulf %mul3A_424, %mul3A_422 : vector<16xf32>
        %sub3A_426 = arith.constant 1.000000e+02 : f32
        %sub3A_427 = vector.broadcast %sub3A_426 : f32 to vector<16xf32>
        %sub3A_428 = arith.subf %mul3A_425, %sub3A_427 : vector<16xf32>
        %add3A_429 = arith.constant 9.99999997E-7 : f32
        %add3A_430 = vector.broadcast %add3A_429 : f32 to vector<16xf32>
        %add3A_431 = arith.addf %mul3A_422, %add3A_430 : vector<16xf32>
        %div3A_432 = arith.divf %sub3A_428, %add3A_431 : vector<16xf32>
        %mul3A_433 = arith.mulf %div3A_432, %sub3A_394 : vector<16xf32>
        %mul3A_434 = arith.mulf %div3A_432, %sub3A_395 : vector<16xf32>
        %jit3A_435 = arith.constant 0.000000e+00 : f32
        %broadcast_in_dim3A_436 = vector.broadcast %jit3A_435 : f32 to vector<16xf32>
        %select_n3A_437 = arith.select %eq3A_29, %broadcast_in_dim3A_436, %mul3A_433 : vector<16xi1>, vector<16xf32>
        %jit3A_438 = arith.constant 0.000000e+00 : f32
        %broadcast_in_dim3A_439 = vector.broadcast %jit3A_438 : f32 to vector<16xf32>
        %select_n3A_440 = arith.select %eq3A_29, %broadcast_in_dim3A_439, %mul3A_434 : vector<16xi1>, vector<16xf32>
        %mul3A_441 = arith.constant 0.00999999977 : f32
        %mul3A_442 = vector.broadcast %mul3A_441 : f32 to vector<16xf32>
        %mul3A_443 = arith.mulf %scan3A_179, %mul3A_442 : vector<16xf32>
        %add3A_444 = arith.addf %scan3A_171, %mul3A_443 : vector<16xf32>
        %mul3A_445 = arith.constant 0.00999999977 : f32
        %mul3A_446 = vector.broadcast %mul3A_445 : f32 to vector<16xf32>
        %mul3A_447 = arith.mulf %scan3A_183, %mul3A_446 : vector<16xf32>
        %add3A_448 = arith.addf %scan3A_175, %mul3A_447 : vector<16xf32>
        %sub3A_449 = arith.constant 9.810000e-04 : f32
        %sub3A_450 = vector.broadcast %sub3A_449 : f32 to vector<16xf32>
        %sub3A_451 = arith.subf %add3A_448, %sub3A_450 : vector<16xf32>
        %sub3A_452 = arith.constant 0.0980999991 : f32
        %sub3A_453 = vector.broadcast %sub3A_452 : f32 to vector<16xf32>
        %sub3A_454 = arith.subf %scan3A_183, %sub3A_453 : vector<16xf32>
        %broadcast_in_dim3A_455 = vector.shape_cast %select_n3A_20 : vector<16xi32> to vector<16x1xi32>
        %gather3A_456 = vector.shape_cast %broadcast_in_dim3A_455 : vector<16x1xi32> to vector<16xi32>
        %gather3A_457 = tpu.dynamic_gather %mul3A_234[%gather3A_456] in [0] : vector<16xf32>, vector<16xi32> -> vector<16xf32>
        %broadcast_in_dim3A_458 = vector.shape_cast %select_n3A_20 : vector<16xi32> to vector<16x1xi32>
        %gather3A_459 = vector.shape_cast %broadcast_in_dim3A_458 : vector<16x1xi32> to vector<16xi32>
        %gather3A_460 = tpu.dynamic_gather %mul3A_235[%gather3A_459] in [0] : vector<16xf32>, vector<16xi32> -> vector<16xf32>
        %sub3A_461 = arith.subf %mul3A_234, %gather3A_457 : vector<16xf32>
        %jit3A_462 = arith.constant 0.000000e+00 : f32
        %broadcast_in_dim3A_463 = vector.broadcast %jit3A_462 : f32 to vector<16xf32>
        %select_n3A_464 = arith.select %eq3A_26, %broadcast_in_dim3A_463, %sub3A_461 : vector<16xi1>, vector<16xf32>
        %select_n3A_465 = arith.select %eq3A_26, %mul3A_235, %gather3A_460 : vector<16xi1>, vector<16xf32>
        %sub3A_466 = arith.subf %mul3A_235, %select_n3A_465 : vector<16xf32>
        %mul3A_467 = arith.constant 0.00999999977 : f32
        %mul3A_468 = vector.broadcast %mul3A_467 : f32 to vector<16xf32>
        %mul3A_469 = arith.mulf %select_n3A_464, %mul3A_468 : vector<16xf32>
        %add3A_470 = arith.addf %scan3A_176, %mul3A_469 : vector<16xf32>
        %mul3A_471 = arith.constant 0.00999999977 : f32
        %mul3A_472 = vector.broadcast %mul3A_471 : f32 to vector<16xf32>
        %mul3A_473 = arith.mulf %sub3A_466, %mul3A_472 : vector<16xf32>
        %add3A_474 = arith.addf %sub3A_249, %mul3A_473 : vector<16xf32>
        %mul3A_475 = arith.constant 9.99999974E-5 : f32
        %mul3A_476 = vector.broadcast %mul3A_475 : f32 to vector<16xf32>
        %mul3A_477 = arith.mulf %select_n3A_464, %mul3A_476 : vector<16xf32>
        %add3A_478 = arith.addf %add3A_239, %mul3A_477 : vector<16xf32>
        %mul3A_479 = arith.constant 9.99999974E-5 : f32
        %mul3A_480 = vector.broadcast %mul3A_479 : f32 to vector<16xf32>
        %mul3A_481 = arith.mulf %sub3A_466, %mul3A_480 : vector<16xf32>
        %add3A_482 = arith.addf %sub3A_246, %mul3A_481 : vector<16xf32>
        %jit3A_483 = arith.constant 0.000000e+00 : f32
        %broadcast_in_dim3A_484 = vector.broadcast %jit3A_483 : f32 to vector<16xf32>
        %select_n3A_485 = arith.select %eq3A_26, %broadcast_in_dim3A_484, %add3A_474 : vector<16xi1>, vector<16xf32>
        %jit3A_486 = arith.constant 0.000000e+00 : f32
        %broadcast_in_dim3A_487 = vector.broadcast %jit3A_486 : f32 to vector<16xf32>
        %select_n3A_488 = arith.select %eq3A_26, %broadcast_in_dim3A_487, %add3A_482 : vector<16xi1>, vector<16xf32>
        %broadcast_in_dim3A_489 = vector.shape_cast %select_n3A_20 : vector<16xi32> to vector<16x1xi32>
        %gather3A_490 = vector.shape_cast %broadcast_in_dim3A_489 : vector<16x1xi32> to vector<16xi32>
        %gather3A_491 = tpu.dynamic_gather %mul3A_303[%gather3A_490] in [0] : vector<16xf32>, vector<16xi32> -> vector<16xf32>
        %broadcast_in_dim3A_492 = vector.shape_cast %select_n3A_20 : vector<16xi32> to vector<16x1xi32>
        %gather3A_493 = vector.shape_cast %broadcast_in_dim3A_492 : vector<16x1xi32> to vector<16xi32>
        %gather3A_494 = tpu.dynamic_gather %mul3A_304[%gather3A_493] in [0] : vector<16xf32>, vector<16xi32> -> vector<16xf32>
        %broadcast_in_dim3A_495 = vector.shape_cast %add3A_23 : vector<16xi32> to vector<16x1xi32>
        %gather3A_496 = vector.shape_cast %broadcast_in_dim3A_495 : vector<16x1xi32> to vector<16xi32>
        %gather3A_497 = tpu.dynamic_gather %mul3A_234[%gather3A_496] in [0] : vector<16xf32>, vector<16xi32> -> vector<16xf32>
        %select_n3A_498 = arith.select %eq3A_26, %gather3A_497, %gather3A_491 : vector<16xi1>, vector<16xf32>
        %broadcast_in_dim3A_499 = vector.shape_cast %add3A_23 : vector<16xi32> to vector<16x1xi32>
        %gather3A_500 = vector.shape_cast %broadcast_in_dim3A_499 : vector<16x1xi32> to vector<16xi32>
        %gather3A_501 = tpu.dynamic_gather %mul3A_235[%gather3A_500] in [0] : vector<16xf32>, vector<16xi32> -> vector<16xf32>
        %select_n3A_502 = arith.select %eq3A_26, %gather3A_501, %gather3A_494 : vector<16xi1>, vector<16xf32>
        %sub3A_503 = arith.subf %mul3A_303, %select_n3A_498 : vector<16xf32>
        %sub3A_504 = arith.subf %mul3A_304, %select_n3A_502 : vector<16xf32>
        %mul3A_505 = arith.constant 0.00999999977 : f32
        %mul3A_506 = vector.broadcast %mul3A_505 : f32 to vector<16xf32>
        %mul3A_507 = arith.mulf %sub3A_503, %mul3A_506 : vector<16xf32>
        %add3A_508 = arith.addf %scan3A_177, %mul3A_507 : vector<16xf32>
        %mul3A_509 = arith.constant 0.00999999977 : f32
        %mul3A_510 = vector.broadcast %mul3A_509 : f32 to vector<16xf32>
        %mul3A_511 = arith.mulf %sub3A_504, %mul3A_510 : vector<16xf32>
        %add3A_512 = arith.addf %sub3A_318, %mul3A_511 : vector<16xf32>
        %mul3A_513 = arith.constant 9.99999974E-5 : f32
        %mul3A_514 = vector.broadcast %mul3A_513 : f32 to vector<16xf32>
        %mul3A_515 = arith.mulf %sub3A_503, %mul3A_514 : vector<16xf32>
        %add3A_516 = arith.addf %add3A_308, %mul3A_515 : vector<16xf32>
        %mul3A_517 = arith.constant 9.99999974E-5 : f32
        %mul3A_518 = vector.broadcast %mul3A_517 : f32 to vector<16xf32>
        %mul3A_519 = arith.mulf %sub3A_504, %mul3A_518 : vector<16xf32>
        %add3A_520 = arith.addf %sub3A_315, %mul3A_519 : vector<16xf32>
        %broadcast_in_dim3A_521 = vector.shape_cast %select_n3A_20 : vector<16xi32> to vector<16x1xi32>
        %gather3A_522 = vector.shape_cast %broadcast_in_dim3A_521 : vector<16x1xi32> to vector<16xi32>
        %gather3A_523 = tpu.dynamic_gather %mul3A_372[%gather3A_522] in [0] : vector<16xf32>, vector<16xi32> -> vector<16xf32>
        %broadcast_in_dim3A_524 = vector.shape_cast %select_n3A_20 : vector<16xi32> to vector<16x1xi32>
        %gather3A_525 = vector.shape_cast %broadcast_in_dim3A_524 : vector<16x1xi32> to vector<16xi32>
        %gather3A_526 = tpu.dynamic_gather %mul3A_373[%gather3A_525] in [0] : vector<16xf32>, vector<16xi32> -> vector<16xf32>
        %broadcast_in_dim3A_527 = vector.shape_cast %add3A_23 : vector<16xi32> to vector<16x1xi32>
        %gather3A_528 = vector.shape_cast %broadcast_in_dim3A_527 : vector<16x1xi32> to vector<16xi32>
        %gather3A_529 = tpu.dynamic_gather %mul3A_303[%gather3A_528] in [0] : vector<16xf32>, vector<16xi32> -> vector<16xf32>
        %select_n3A_530 = arith.select %eq3A_26, %gather3A_529, %gather3A_523 : vector<16xi1>, vector<16xf32>
        %broadcast_in_dim3A_531 = vector.shape_cast %add3A_23 : vector<16xi32> to vector<16x1xi32>
        %gather3A_532 = vector.shape_cast %broadcast_in_dim3A_531 : vector<16x1xi32> to vector<16xi32>
        %gather3A_533 = tpu.dynamic_gather %mul3A_304[%gather3A_532] in [0] : vector<16xf32>, vector<16xi32> -> vector<16xf32>
        %select_n3A_534 = arith.select %eq3A_26, %gather3A_533, %gather3A_526 : vector<16xi1>, vector<16xf32>
        %sub3A_535 = arith.subf %mul3A_372, %select_n3A_530 : vector<16xf32>
        %sub3A_536 = arith.subf %mul3A_373, %select_n3A_534 : vector<16xf32>
        %mul3A_537 = arith.constant 0.00999999977 : f32
        %mul3A_538 = vector.broadcast %mul3A_537 : f32 to vector<16xf32>
        %mul3A_539 = arith.mulf %sub3A_535, %mul3A_538 : vector<16xf32>
        %add3A_540 = arith.addf %scan3A_178, %mul3A_539 : vector<16xf32>
        %mul3A_541 = arith.constant 0.00999999977 : f32
        %mul3A_542 = vector.broadcast %mul3A_541 : f32 to vector<16xf32>
        %mul3A_543 = arith.mulf %sub3A_536, %mul3A_542 : vector<16xf32>
        %add3A_544 = arith.addf %sub3A_387, %mul3A_543 : vector<16xf32>
        %mul3A_545 = arith.constant 9.99999974E-5 : f32
        %mul3A_546 = vector.broadcast %mul3A_545 : f32 to vector<16xf32>
        %mul3A_547 = arith.mulf %sub3A_535, %mul3A_546 : vector<16xf32>
        %add3A_548 = arith.addf %add3A_377, %mul3A_547 : vector<16xf32>
        %mul3A_549 = arith.constant 9.99999974E-5 : f32
        %mul3A_550 = vector.broadcast %mul3A_549 : f32 to vector<16xf32>
        %mul3A_551 = arith.mulf %sub3A_536, %mul3A_550 : vector<16xf32>
        %add3A_552 = arith.addf %sub3A_384, %mul3A_551 : vector<16xf32>
        %broadcast_in_dim3A_553 = vector.shape_cast %select_n3A_20 : vector<16xi32> to vector<16x1xi32>
        %gather3A_554 = vector.shape_cast %broadcast_in_dim3A_553 : vector<16x1xi32> to vector<16xi32>
        %gather3A_555 = tpu.dynamic_gather %select_n3A_437[%gather3A_554] in [0] : vector<16xf32>, vector<16xi32> -> vector<16xf32>
        %broadcast_in_dim3A_556 = vector.shape_cast %select_n3A_20 : vector<16xi32> to vector<16x1xi32>
        %gather3A_557 = vector.shape_cast %broadcast_in_dim3A_556 : vector<16x1xi32> to vector<16xi32>
        %gather3A_558 = tpu.dynamic_gather %select_n3A_440[%gather3A_557] in [0] : vector<16xf32>, vector<16xi32> -> vector<16xf32>
        %broadcast_in_dim3A_559 = vector.shape_cast %add3A_23 : vector<16xi32> to vector<16x1xi32>
        %gather3A_560 = vector.shape_cast %broadcast_in_dim3A_559 : vector<16x1xi32> to vector<16xi32>
        %gather3A_561 = tpu.dynamic_gather %mul3A_372[%gather3A_560] in [0] : vector<16xf32>, vector<16xi32> -> vector<16xf32>
        %select_n3A_562 = arith.select %eq3A_26, %gather3A_561, %gather3A_555 : vector<16xi1>, vector<16xf32>
        %broadcast_in_dim3A_563 = vector.shape_cast %add3A_23 : vector<16xi32> to vector<16x1xi32>
        %gather3A_564 = vector.shape_cast %broadcast_in_dim3A_563 : vector<16x1xi32> to vector<16xi32>
        %gather3A_565 = tpu.dynamic_gather %mul3A_373[%gather3A_564] in [0] : vector<16xf32>, vector<16xi32> -> vector<16xf32>
        %select_n3A_566 = arith.select %eq3A_26, %gather3A_565, %gather3A_558 : vector<16xi1>, vector<16xf32>
        %sub3A_567 = arith.subf %select_n3A_437, %select_n3A_562 : vector<16xf32>
        %sub3A_568 = arith.subf %select_n3A_440, %select_n3A_566 : vector<16xf32>
        %mul3A_569 = arith.constant 0.00999999977 : f32
        %mul3A_570 = vector.broadcast %mul3A_569 : f32 to vector<16xf32>
        %mul3A_571 = arith.mulf %sub3A_567, %mul3A_570 : vector<16xf32>
        %add3A_572 = arith.addf %scan3A_179, %mul3A_571 : vector<16xf32>
        %mul3A_573 = arith.constant 0.00999999977 : f32
        %mul3A_574 = vector.broadcast %mul3A_573 : f32 to vector<16xf32>
        %mul3A_575 = arith.mulf %sub3A_568, %mul3A_574 : vector<16xf32>
        %add3A_576 = arith.addf %sub3A_454, %mul3A_575 : vector<16xf32>
        %mul3A_577 = arith.constant 9.99999974E-5 : f32
        %mul3A_578 = vector.broadcast %mul3A_577 : f32 to vector<16xf32>
        %mul3A_579 = arith.mulf %sub3A_567, %mul3A_578 : vector<16xf32>
        %add3A_580 = arith.addf %add3A_444, %mul3A_579 : vector<16xf32>
        %mul3A_581 = arith.constant 9.99999974E-5 : f32
        %mul3A_582 = vector.broadcast %mul3A_581 : f32 to vector<16xf32>
        %mul3A_583 = arith.mulf %sub3A_568, %mul3A_582 : vector<16xf32>
        %add3A_584 = arith.addf %sub3A_451, %mul3A_583 : vector<16xf32>
        scf.yield %add3A_478, %add3A_516, %add3A_548, %add3A_580, %select_n3A_488, %add3A_520, %add3A_552, %add3A_584, %add3A_470, %add3A_508, %add3A_540, %add3A_572, %select_n3A_485, %add3A_512, %add3A_544, %add3A_576 : vector<16xf32>, vector<16xf32>, vector<16xf32>, vector<16xf32>, vector<16xf32>, vector<16xf32>, vector<16xf32>, vector<16xf32>, vector<16xf32>, vector<16xf32>, vector<16xf32>, vector<16xf32>, vector<16xf32>, vector<16xf32>, vector<16xf32>, vector<16xf32>
      }
      %scan3A_130 = arith.constant 50 : i32
      %mul3A_131 = arith.constant 2 : i32
      %mul3A_132 = vector.broadcast %mul3A_131 : i32 to vector<16xi32>
      %mul3A_133 = arith.muli %mul3A_132, %iota3A : vector<16xi32>
      %add3A_134 = arith.constant 0 : i32
      %add3A_135 = vector.broadcast %add3A_134 : i32 to vector<16xi32>
      %add3A_136 = arith.addi %mul3A_133, %add3A_135 : vector<16xi32>
      tpu.vector_store_idx %arg5[%add3A_136], %scan3A_129#0 : memref<128xf32, #tpu.memory_space<vmem>>[vector<16xi32>], vector<16xf32>,
      %add3A_137 = arith.constant 1 : i32
      %add3A_138 = vector.broadcast %add3A_137 : i32 to vector<16xi32>
      %add3A_139 = arith.addi %add3A_136, %add3A_138 : vector<16xi32>
      tpu.vector_store_idx %arg5[%add3A_139], %scan3A_129#4 : memref<128xf32, #tpu.memory_space<vmem>>[vector<16xi32>], vector<16xf32>,
      %mul3A_140 = arith.constant 2 : i32
      %mul3A_141 = vector.broadcast %mul3A_140 : i32 to vector<16xi32>
      %mul3A_142 = arith.muli %mul3A_141, %iota3A : vector<16xi32>
      %add3A_143 = arith.constant 32 : i32
      %add3A_144 = vector.broadcast %add3A_143 : i32 to vector<16xi32>
      %add3A_145 = arith.addi %mul3A_142, %add3A_144 : vector<16xi32>
      tpu.vector_store_idx %arg5[%add3A_145], %scan3A_129#1 : memref<128xf32, #tpu.memory_space<vmem>>[vector<16xi32>], vector<16xf32>,
      %add3A_146 = arith.constant 1 : i32
      %add3A_147 = vector.broadcast %add3A_146 : i32 to vector<16xi32>
      %add3A_148 = arith.addi %add3A_145, %add3A_147 : vector<16xi32>
      tpu.vector_store_idx %arg5[%add3A_148], %scan3A_129#5 : memref<128xf32, #tpu.memory_space<vmem>>[vector<16xi32>], vector<16xf32>,
      %mul3A_149 = arith.constant 2 : i32
      %mul3A_150 = vector.broadcast %mul3A_149 : i32 to vector<16xi32>
      %mul3A_151 = arith.muli %mul3A_150, %iota3A : vector<16xi32>
      %add3A_152 = arith.constant 64 : i32
      %add3A_153 = vector.broadcast %add3A_152 : i32 to vector<16xi32>
      %add3A_154 = arith.addi %mul3A_151, %add3A_153 : vector<16xi32>
      tpu.vector_store_idx %arg5[%add3A_154], %scan3A_129#2 : memref<128xf32, #tpu.memory_space<vmem>>[vector<16xi32>], vector<16xf32>,
      %add3A_155 = arith.constant 1 : i32
      %add3A_156 = vector.broadcast %add3A_155 : i32 to vector<16xi32>
      %add3A_157 = arith.addi %add3A_154, %add3A_156 : vector<16xi32>
      tpu.vector_store_idx %arg5[%add3A_157], %scan3A_129#6 : memref<128xf32, #tpu.memory_space<vmem>>[vector<16xi32>], vector<16xf32>,
      %mul3A_158 = arith.constant 2 : i32
      %mul3A_159 = vector.broadcast %mul3A_158 : i32 to vector<16xi32>
      %mul3A_160 = arith.muli %mul3A_159, %iota3A : vector<16xi32>
      %add3A_161 = arith.constant 96 : i32
      %add3A_162 = vector.broadcast %add3A_161 : i32 to vector<16xi32>
      %add3A_163 = arith.addi %mul3A_160, %add3A_162 : vector<16xi32>
      tpu.vector_store_idx %arg5[%add3A_163], %scan3A_129#3 : memref<128xf32, #tpu.memory_space<vmem>>[vector<16xi32>], vector<16xf32>,
      %add3A_164 = arith.constant 1 : i32
      %add3A_165 = vector.broadcast %add3A_164 : i32 to vector<16xi32>
      %add3A_166 = arith.addi %add3A_163, %add3A_165 : vector<16xi32>
      tpu.vector_store_idx %arg5[%add3A_166], %scan3A_129#7 : memref<128xf32, #tpu.memory_space<vmem>>[vector<16xi32>], vector<16xf32>,
      "tpu.region"() ({
        %run_scoped3A = tpu.sem_alloc : memref<!tpu.dma_semaphore, #tpu.memory_space<semaphore_mem>>
        tpu.enqueue_dma source(%arg5 : memref<128xf32, #tpu.memory_space<vmem>>) target(%arg3 : memref<128xf32, #tpu.memory_space<hbm>>) target_semaphore(%run_scoped3A : memref<!tpu.dma_semaphore, #tpu.memory_space<semaphore_mem>>)
        tpu.wait_dma2 semaphore(%run_scoped3A : memref<!tpu.dma_semaphore, #tpu.memory_space<semaphore_mem>>) src(%arg5 : memref<128xf32, #tpu.memory_space<vmem>>) dst(%arg3 : memref<128xf32, #tpu.memory_space<hbm>>)
        tpu.yield
      }) : () -> ()
    } else {
    }
    return
  }
}

</mosaic_0001>

<sc_bundles>
// kernel: kernel.3.cloned.1.call-start
scs
__scs_entry_jumppad:
0x0: {  	(pc) =	sbr.rel $0x88, $3  }
0x1: {  	(tag) =	ssettag $0x0;
	lr =	simm.s32 $0x1  }
0x2: {  	[smem:$0x3F9F] =	sst lr;
	_ =	strace $0xD0000000  }
0x3: {  	_ = 	snop  }
0x4: {  	_ = 	snop  }
0x5: {  	_ = 	snop  }
0x6: {  	_ = 	snop  }
0x7: {  	_ = 	snop  }
__scs_overlays_trampoline_lowered:
0x8: {  	[smem:$0x3FAE] =	sst s0  }
0x9: {  	[smem:$0x3FAF] =	sst s1  }
0xa: {  	[smem:$0x3FB0] =	sst s2  }
0xb: {  	[smem:$0x3FB1] =	sst s3  }
0xc: {  	[smem:$0x3FB2] =	sst s4  }
0xd: {  	[smem:$0x3FB3] =	sst s5  }
0xe: {  	[smem:$0x3FB4] =	sst s6  }
0xf: {  	[smem:$0x3FB5] =	sst s7  }
0x10: {  	[smem:$0x3FB6] =	sst s8  }
0x11: {  	[smem:$0x3FB7] =	sst s9;
	s0 =	simm.s32 @!p0 $0x0  }
0x12: {  	s1 =	sld [smem:$0x3F9D];
	s0 =	simm.s32 @p0 $0x1  }
0x13: {  	[smem:$0x3FB8] =	sst s0;
	s0 =	simm.s32 @!p1 $0x0  }
0x14: {  	s2 =	sld [smem:$0x3F9C];
	s0 =	simm.s32 @p1 $0x1  }
0x15: {  	[smem:$0x3FB9] =	sst s0;
	s0 =	simm.s32 @!p2 $0x0  }
0x16: {  	s3 =	sld [smem:$0x3FDB];
	s0 =	simm.s32 @p2 $0x1  }
0x17: {  	s4 =	simm.s32 $0x1BF5;
	[smem:$0x3FBB] =	sst s0  }
0x18: {  	s0 =	sld [smem:$0x3F9E];
	_ =	swait.ge [sflag:s4], $0x0  }
0x19: {  	s7 =	sld [smem:$0x3F9F]  }
0x1a: {  	s8 =	sadd.s32 $0xFFFFE003, lr  }
0x1b: {  	s9 =	sadd.s32 $0xFFFFFEF7, lr;
	s5 =	simm.s32 $0xFFFFFFFF;
	p2 =	slt.u32 s8, $0xFFFFF086  }
0x1c: {  	p1 =	slt.u32 s9, $0xF7A;
	s5 =	simm.s32 @!p2 $0x0  }
0x1d: {  	s5 =	simm.s32 @p1 $0x1;
	p0 =	seq.s32 s7, s2  }
0x1e: {  	s7 =	smul.u32 @!p0 $0xF7A, s2;
	p2 =	seq.s32 @!p0 s5, $0x0  }
0x1f: {  	s9 =	smul.u32 $0xF7A, s1;
	s8 =	simm.s32 @!p0 $0x1BF5;
	p2 =	por !p2, p0  }
0x20: {  	[sflag:s8] =	ssyncset.s32 @!p0 $0xFFFFF086;
	s6 =	sadd.s32 @!p0 s3, s7;
	s7 =	simm.s32 @!p0 $0x108  }
0x21: {  	s3 =	sadd.s32 s3, s9;
	s6 =	sadd.s32 @!p0 $0x88, s6;
	s7 =	simm.s32 @p2 $0x1082  }
0x22: {  	[simem:s7], [sflag:s8] =	dma.local @!p0 [hbm:s6], $0xF7A  }
0x23: {  	s9 =	sor.u32 $0xD0000000, s2;
	s6 =	simm.s32 $0x108;
	_ =	swait.ge @!p0 [sflag:s8], $0x0  }
0x24: {  	s3 =	sadd.s32 $0x88, s3;
	s6 =	simm.s32 @!p1 $0x1082;
	[sflag:s4] =	ssyncset.s32 $0xFFFFF086  }
0x25: {  	[simem:s6], [sflag:s4] =	dma.local [hbm:s3], $0xF7A  }
0x26: {  	[smem:$0x3F9F] =	sst s1;
	(tag) =	ssettag s2;
	_ =	strace s9  }
0x27: {  	s1 =	sld [smem:$0x3FAF]  }
0x28: {  	s2 =	sld [smem:$0x3FB0]  }
0x29: {  	s4 =	sld [smem:$0x3FB2]  }
0x2a: {  	p0 =	seq.s32 s5, $0x0;
	s5 =	sld [smem:$0x3FB3]  }
0x2b: {  	s6 =	sld [smem:$0x3FB4]  }
0x2c: {  	s7 =	sld [smem:$0x3FB5]  }
0x2d: {  	s3 =	simm.s32 $0x108;
	s8 =	sld [smem:$0x3FB6]  }
0x2e: {  	s3 =	simm.s32 @!p0 $0x1082;
	s9 =	sld [smem:$0x3FB7]  }
0x2f: {  	lr =	sadd.s32 s0, s3;
	s0 =	sld [smem:$0x3FAE]  }
0x30: {  	s3 =	sld [smem:$0x3FB1]  }
0x31: {  	[smem:$0x3FBA] =	sst s10  }
0x32: {  	s10 =	sld [smem:$0x3FB8];
	_ =	sdelay $0x3  }
0x33: {  	p0 =	seq.s32 s10, $0x1;
	s10 =	sld [smem:$0x3FBA];
	_ =	sdelay $0x3  }
0x34: {  	[smem:$0x3FBA] =	sst s10  }
0x35: {  	s10 =	sld [smem:$0x3FB9];
	_ =	sdelay $0x3  }
0x36: {  	p1 =	seq.s32 s10, $0x1;
	s10 =	sld [smem:$0x3FBA];
	_ =	sdelay $0x3  }
0x37: {  	[smem:$0x3FBA] =	sst s10  }
0x38: {  	s10 =	sld [smem:$0x3FBB]  }
0x39: {  	_ = 	snop;
	(pc) =	sbr.ind lr, $3  }
0x3a: {  	_ = 	snop  }
0x3b: {  	_ = 	snop  }
0x3c: {  	p2 =	seq.s32 s10, $0x1;
	s10 =	sld [smem:$0x3FBA]  }
0x3d: {  	_ =	shalt  }
0x3e: {  	_ =	shalt  }
0x3f: {  	_ =	shalt  }
0x40: {  	_ =	shalt  }
0x41: {  	_ =	shalt  }
0x42: {  	_ =	shalt  }
0x43: {  	_ =	shalt  }
0x44: {  	_ =	shalt  }
0x45: {  	_ =	shalt  }
0x46: {  	_ =	shalt  }
0x47: {  	_ =	shalt  }
0x48: {  	_ =	shalt  }
0x49: {  	_ =	shalt  }
0x4a: {  	_ =	shalt  }
0x4b: {  	_ =	shalt  }
0x4c: {  	_ =	shalt  }
0x4d: {  	_ =	shalt  }
0x4e: {  	_ =	shalt  }
0x4f: {  	_ =	shalt  }
0x50: {  	_ =	shalt  }
0x51: {  	_ =	shalt  }
0x52: {  	_ =	shalt  }
0x53: {  	_ =	shalt  }
0x54: {  	_ =	shalt  }
0x55: {  	_ =	shalt  }
0x56: {  	_ =	shalt  }
0x57: {  	_ =	shalt  }
0x58: {  	_ =	shalt  }
0x59: {  	_ =	shalt  }
0x5a: {  	_ =	shalt  }
0x5b: {  	_ =	shalt  }
0x5c: {  	_ =	shalt  }
0x5d: {  	_ =	shalt  }
0x5e: {  	_ =	shalt  }
0x5f: {  	_ =	shalt  }
0x60: {  	_ =	shalt  }
0x61: {  	_ =	shalt  }
0x62: {  	_ =	shalt  }
0x63: {  	_ =	shalt  }
0x64: {  	_ =	shalt  }
0x65: {  	_ =	shalt  }
0x66: {  	_ =	shalt  }
0x67: {  	_ =	shalt  }
0x68: {  	_ =	shalt  }
0x69: {  	_ =	shalt  }
0x6a: {  	_ =	shalt  }
0x6b: {  	_ =	shalt  }
0x6c: {  	_ =	shalt  }
0x6d: {  	_ =	shalt  }
0x6e: {  	_ =	shalt  }
0x6f: {  	_ =	shalt  }
0x70: {  	_ =	shalt  }
0x71: {  	_ =	shalt  }
0x72: {  	_ =	shalt  }
0x73: {  	_ =	shalt  }
0x74: {  	_ =	shalt  }
0x75: {  	_ =	shalt  }
0x76: {  	_ =	shalt  }
0x77: {  	_ =	shalt  }
0x78: {  	_ =	shalt  }
0x79: {  	_ =	shalt  }
0x7a: {  	_ =	shalt  }
0x7b: {  	_ =	shalt  }
0x7c: {  	_ =	shalt  }
0x7d: {  	_ =	shalt  }
0x7e: {  	_ =	shalt  }
0x7f: {  	_ =	shalt  }
0x80: {  	_ =	shalt  }
0x81: {  	_ =	shalt  }
0x82: {  	_ =	shalt  }
0x83: {  	_ =	shalt  }
0x84: {  	_ =	shalt  }
0x85: {  	_ =	shalt  }
0x86: {  	_ =	shalt  }
0x87: {  	_ =	shalt  }
.Lfunc_end0:
.L_simem_size_0:
called_computation_lowered:
.L_overlay_start_0:
0x88: {  	s2 =	sld [smem:$0x3FD9]  }
0x89: {  	s3 =	sld [smem:$0x3FFE];
	_ =	sdelay $0x1  }
0x8a: {  	s1 =	srdreg.scid  }
0x8b: {  	s0 =	sand.u32 $0x1, s1  }
0x8c: {  	s17 =	sshll.u32 s0, $0xA;
	s2 =	sadd.s32 s3, s2  }
0x8d: {  	s2 =	sadd.s32 s2, s17  }
0x8e: {  	[smem:$0x3FC6] =	sst s2  }
0x8f: {  	_ = 	snop  }
0x90: {  	s2 =	sld [smem:$0x3FD0];
	(tm) =	ssettm $0x1  }
0x91: {  	s18 =	sld [smem:$0x3FFB];
	_ =	sdelay $0x3  }
0x92: {  	_ =	strace s18  }
0x93: {  	s3 =	sld [smem:$0x3FFC];
	_ =	sdelay $0x3  }
0x94: {  	_ =	strace s3  }
0x95: {  	s3 =	sld [smem:$0x3FFD];
	_ =	sdelay $0x3  }
0x96: {  	_ =	strace s3  }
0x97: {  	_ =	strace $0x8FFFFFFF  }
0x98: {  	s19 =	sld [smem:$0x3FDB];
	_ =	sdelay $0x1  }
0x99: {  	s4 =	simm.s32 $_scs_section_size  }
0x9a: {  	s5 =	simm.s32 $_size__tile_overlayer_lowered;
	s6 =	simm.s32 $_tile_overlayer_lowered  }
0x9b: {  	s22 =	simm.s32 $0x1BFF;
	s21 =	sshll.u32 s6, $0x1;
	s3 =	sadd.s32 s4, s19  }
0x9c: {  	s7 =	simm.s32 $0x0;
	s20 =	sshll.u32 s5, $0x1;
	s5 =	sadd.s32 s21, s3  }
0x9d: {  	[timem:s7], [sflag:s22] =	dma.local [hbm:s5], s20  }
0x9e: {  	_ =	swait.ge [sflag:s22], s20  }
0x9f: {  	s4 =	ssub.s32 $0x0, s20;
	[sflag:s22] =	ssyncset.done $0x0  }
0xa0: {  	[sflag:s22] =	ssyncadd.s32 s4;
	_ =	sdelay $0x1  }
0xa1: {  	s23 =	simm.s32 $0x1B8B  }
0xa2: {  	_ =	swait.ge [sflag:s23], $0x1  }
0xa3: {  	[sflag:s23] =	ssyncset.done $0x0  }
0xa4: {  	s25 =	simm.s32 $0x1B8E;
	s24 =	sld [smem:$0x3FFE];
	[sflag:s23] =	ssyncadd.s32 $0xFFFFFFFF  }
0xa5: {  	s26 =	simm.s32 $execute0_lowered;
	[smem:$0x3FD2] =	sst s25  }
0xa6: {  	s5 =	sshll.u32 s26, $0x1;
	_ =	strace $0x80000046;
	[dreg:$0x1] =	wrdreg $0xFFFFFFFF  }
0xa7: {  	s28 =	simm.s32 $_size_execute0_lowered;
	s3 =	sadd.s32 s3, s5;
	[dreg:$0x0] =	wrdreg $0x0  }
0xa8: {  	s5 =	sshll.u32 s28, $0x1;
	[dreg:$0x2] =	wrdreg s3  }
0xa9: {  	[dreg:$0x3] =	wrdreg s5  }
0xaa: {  	[dreg:$0x4] =	wrdreg $0xC0  }
0xab: {  	_ =	task [dreg:s7], $0x5FFFF  }
0xac: {  	[dreg:$0x1] =	wrdreg $0xFFFFFFFF  }
0xad: {  	[dreg:$0x0] =	wrdreg $0x60  }
0xae: {  	[dreg:$0x2] =	wrdreg s2  }
0xaf: {  	[dreg:$0x3] =	wrdreg s24  }
0xb0: {  	[dreg:$0x4] =	wrdreg $0x9  }
0xb1: {  	_ =	task.clear_ibuf [dreg:s7], $0x5FFFF;
	_ =	strace $0x90000046  }
0xb2: {  	s29 =	simm.s32 $0x9;
	_ =	strace $0x80000048  }
0xb3: {  	_ =	swait.ge [sflag:s29], $0x1  }
0xb4: {  	[sflag:s29] =	ssyncadd.s32 $0xFFFFFFFF  }
0xb5: {  	_ =	strace $0x90000048  }
0xb6: {  	_ =	sfence  }
0xb7: {  	s30 =	sld [smem:$0x0];
	_ =	sdelay $0x2  }
0xb8: {  	s31 =	sshll.u32 s1, $0xD;
	s1 =	sshrl.u32 s1, $0x2  }
0xb9: {  	s3 =	sand.u32 $0x4000, s31;
	s1 =	sadd.s32 s1, s30  }
0xba: {  	s0 =	sor.u32 s3, s0;
	s1 =	sshll.u32 s1, $0x11  }
0xbb: {  	s0 =	sor.u32 s1, s0  }
0xbc: {  	s0 =	sadd.s32 $0x8F2B, s0  }
0xbd: {  	[sflag:s0] =	ssyncadd.remote.s32 $0x1  }
0xbe: {  	_ =	sfence.sel $0xFFFF  }
0xbf: {  	[dreg:$0x0] =	wrdreg $0xFFFFFFFF;
	(pc) =	sbr.abs _section_cstart, $3  }
0xc0: {  	[dreg:$0x1] =	wrdreg $0xFFFFFFFF  }
0xc1: {  	_ =	task.clear_ibuf [dreg:s7], $0x2FFFF;
	_ =	strace $0x9FFFFFFF  }
0xc2: {  	(tm) =	ssettm $0x7FFFFFFF  }
0xc3: {  	_ =	shalt  }
tec
execute0_lowered:
.L_overlay_start_1:
0x0: {  	(tag) =	ssettag $0x1  }
0x1: {  	s0 =	srdreg.scid  }
0x2: {  	s4 =	sand.u32 $0x1, s0;
	s0 =	stileid.u32  }
0x3: {  	s5 =	sor.u32 s0, s4  }
0x4: {  	p0 =	sne.s32 s5, $0x0  }
.Ltmp0:
0x5: {  	_ = 	snop;
	(pc) =	sbr.rel @p0 .LBB2_5-.Ltmp0, $4  }
0x6: {  	_ = 	snop  }
0x7: {  	s2 =	rddreg [dreg:$0x0]  }
0x8: {  	s3 =	rddreg [dreg:$0x1]  }
0x9: {  	s1 =	rddreg [dreg:$0x2];
	_ =	strace $0x80000047  }
0xa: {  	v0 =	vimm.s32 $0x76543218  }
0xb: {  	v1 =	vimm.s32 $0xEDCBA90;
	vm0 =	vcmask $0x2304;
	v3 =	vimm.s32 $0x1412100E  }
0xc: {  	v4 =	vimm.s32 $0x1C1A1816;
	v5 =	vimm.s32 $0xDB975311;
	v6 =	vimm.s32 $0x1513110F  }
0xd: {  	v7 =	vimm.s32 $0x1D1B1917;
	v13 =	vimm.s32 $0xEDCBA987;
	v15 =	vimm.s32 $0x65432100  }
0xe: {  	vm1 =	vmmov $0x1;
	v0 =	vunpack.c.l.s4.s8 v0;
	v1 =	vunpack.c.l.s4.s8 v1  }
0xf: {  	v4 =	vunpack.c.0.s8.s32 v4;
	v5 =	vunpack.c.l.s4.s8 v5;
	v6 =	vunpack.c.0.s8.s32 v6  }
0x10: {  	v7 =	vunpack.c.0.s8.s32 v7;
	v17 =	vunpack.c.l.s4.s8 v13;
	v0 =	vunpack.c.0.s8.s32 v0  }
0x11: {  	v19 =	vunpack.c.l.s4.s8 v15;
	v1 =	vunpack.c.0.s8.s32 v1;
	v5 =	vunpack.c.0.s8.s32 v5  }
0x12: {  	v2 =	vnsel vm0, $0x0, v0;
	vm0 =	vcmask $0x3F24;
	v0 =	vlaneseq.u32  }
0x13: {  	v20 =	vunpack.c.0.s8.s32 v17;
	v1 =	vsel vm0, v1, v2;
	v2 =	vadd.s32 $0x1, v0  }
0x14: {  	v21 =	vunpack.c.0.s8.s32 v19;
	v1 =	vperm.xlane v2, v1;
	v2 =	vunpack.c.0.s8.s32 v3  }
0x15: {  	v20 =	vand.u32 $0xF, v20;
	vm0 =	vcmask $0x1F10;
	v3 =	vimm.s32 $0xCA864200  }
0x16: {  	v3 =	vunpack.c.l.s4.s8 v3;
	v4 =	vsel vm0, v4, v2;
	v2 =	vmul.u32 $0x2, v0  }
0x17: {  	v19 =	vimm.s32 $0x0;
	v5 =	vand.u32 $0xF, v5;
	v20 =	vcombine.low v21, v20  }
0x18: {  	v21 =	vimm.s32 $0xF;
	v3 =	vunpack.c.0.s8.s32 v3;
	v8 =	vadd.s32 $0x1F, v2  }
0x19: {  	v9 =	vadd.s32 $0x9E, v2;
	v10 =	vadd.s32 $0x9F, v2;
	v11 =	vadd.s32 $0x3E, v2  }
0x1a: {  	v12 =	vadd.s32 $0x3F, v2;
	v13 =	vadd.s32 $0xBE, v2;
	v14 =	vadd.s32 $0xBF, v2  }
0x1b: {  	v15 =	vadd.s32 $0x5E, v2;
	v16 =	vadd.s32 $0x5F, v2;
	v3 =	vand.u32 $0xF, v3  }
0x1c: {  	s4 =	ssub.s32 $0x2, s4;
	s3 =	sadd.s32 $0x800, s3;
	v17 =	vadd.s32 $0xDE, v2;
	v18 =	vadd.s32 $0xDF, v2;
	v3 =	vcombine.low v3, v4  }
0x1d: {  	s6 =	simm.s32 $0x1;
	s7 =	simm.s32 $0x100;
	s5 =	sshrl.u32 s4, $0x1;
	v4 =	vsel vm0, v7, v6;
	v6 =	vadd.s32 $0x7F, v2;
	v7 =	vadd.s32 $0x1E, v2  }
0x1e: {  	s8 =	simm.s32 $0x0;
	s4 =	ssub.s32 s4, s5;
	s5 =	simm.s32 $0x0;
	vm0 =	vmmov $0x7fff;
	v4 =	vcombine.low v5, v4;
	v5 =	vadd.s32 $0x7E, v2  }
.LBB2_2:
0x1f: {  	[tilespmem:s5], [sflag:$0x1] =	stream.linear.gather [hbm4b:s2+s5], $0x100, $0x38;
	[tilespmem:$0x180] =	vst v63  }
0x20: {  	_ =	swait.ge [sflag:s6], $0x100  }
0x21: {  	[sflag:s6] =	ssyncset.done $0x0  }
0x22: {  	[sflag:s6] =	ssyncadd.s32 $0xFFFFFF00  }
0x23: {  	v28 =	vld.idx.msk [tilespmem:v7+s5+$0x0], $0xffff  }
0x24: {  	v34 =	vld.idx.msk [tilespmem:v12+s5+$0x0], $0xffff  }
0x25: {  	v27 =	vld.idx.msk [tilespmem:v16+s5+$0x0], $0xffff  }
0x26: {  	v26 =	vld.idx.msk [tilespmem:v11+s5+$0x0], $0xffff  }
0x27: {  	v35 =	vld.idx.msk [tilespmem:v15+s5+$0x0], $0xffff;
	_ =	sdelay $0x1  }
0x28: {  	v24 =	vld.idx.msk [tilespmem:v8+s5+$0x0], $0xffff  }
0x29: {  	v22 =	vperm.xlane v27, v19;
	v23 =	vperm.xlane v34, v19  }
0x2a: {  	v25 =	vperm.xlane v26, v1;
	v31 =	vperm.xlane v28, v1  }
0x2b: {  	v29 =	vperm.xlane v27, v1;
	v30 =	vperm.xlane v35, v1  }
0x2c: {  	vm2 =	veq.s32 v0, $0x0;
	v32 =	vperm.xlane v35, v19;
	v33 =	vperm.xlane v34, v1  }
0x2d: {  	v36 =	vperm.xlane v26, v19;
	v49 =	vperm.xlane v24, v1;
	v37 =	vsub.f32 v29, v27  }
0x2e: {  	v38 =	vld.idx.msk [tilespmem:v3+s5+$0x0], $0xffff;
	v30 =	vsub.f32 v30, v35;
	v25 =	vsel vm0, v25, v32;
	v22 =	vsel vm0, v33, v22  }
0x2f: {  	v23 =	vsel vm0, v49, v23;
	v29 =	vsub.f32 v25, v26;
	v39 =	vsub.f32 v22, v34  }
0x30: {  	v22 =	vsel vm0, v31, v36;
	v25 =	vmul.f32 v37, v37;
	v50 =	vmul.f32 v30, v30  }
0x31: {  	v31 =	vsub.f32 v22, v28;
	v22 =	vmul.f32 v29, v29;
	v51 =	vmul.f32 v39, v39  }
0x32: {  	v52 =	vld.idx.msk [tilespmem:v4+s5+$0x0], $0xffff;
	v44 =	vperm.xlane v28, v19;
	v40 =	vsub.f32 v23, v24;
	v23 =	vadd.f32 v25, v50  }
0x33: {  	v25 =	vsel vm2, $0x0, v38;
	v53 =	vmul.f32 v31, v31;
	v33 =	vadd.f32 v51, v22  }
0x34: {  	v22 =	vmul.f32 v40, v40;
	v54 =	vshra.s32 v23, $0x1;
	v41 =	vmul.f32 $5.000000000e-01, v23  }
0x35: {  	v42 =	vshra.s32 v33, $0x1;
	v43 =	vmul.f32 $5.000000000e-01, v33;
	v38 =	vsub.s32 $0x5F3759DF, v54  }
0x36: {  	v32 =	vadd.f32 v22, v53;
	v22 =	vsub.s32 $0x5F3759DF, v42;
	v55 =	vmul.f32 v38, v41  }
0x37: {  	v49 =	vperm.xlane v24, v19;
	v36 =	vsel vm2, $0x0, v52;
	v45 =	vmul.f32 v22, v43  }
0x38: {  	v46 =	vshra.s32 v32, $0x1;
	v47 =	vmul.f32 $5.000000000e-01, v32;
	v42 =	vmul.f32 v38, v55  }
0x39: {  	v50 =	vperm.xlane v36, v1;
	v48 =	vperm.xlane v25, v1;
	v46 =	vsub.s32 $0x5F3759DF, v46  }
0x3a: {  	v45 =	vmul.f32 v22, v45;
	v51 =	vmul.f32 v46, v47;
	v42 =	vsub.f32 $1.500000000e+00, v42  }
0x3b: {  	v56 =	vsel vm0, v50, v49;
	v44 =	vsel vm0, v48, v44  }
0x3c: {  	v45 =	vsub.f32 $1.500000000e+00, v45;
	v57 =	vmul.f32 v46, v51;
	v38 =	vmul.f32 v38, v42  }
0x3d: {  	v42 =	vsub.f32 v44, v25;
	v44 =	vsub.f32 v56, v36  }
0x3e: {  	v45 =	vmul.f32 v22, v45;
	v48 =	vsub.f32 $1.500000000e+00, v57;
	v22 =	vmul.f32 v38, v41  }
0x3f: {  	v58 =	vmul.f32 v42, v42;
	v59 =	vmul.f32 v44, v44  }
0x40: {  	v43 =	vmul.f32 v45, v43;
	v46 =	vmul.f32 v46, v48  }
0x41: {  	v22 =	vmul.f32 v22, v38;
	v41 =	vadd.f32 v59, v58  }
0x42: {  	v43 =	vmul.f32 v43, v45;
	v47 =	vmul.f32 v46, v47  }
0x43: {  	v60 =	vsub.f32 $1.500000000e+00, v22;
	v22 =	vshra.s32 v41, $0x1;
	v61 =	vmul.f32 $5.000000000e-01, v41  }
0x44: {  	v52 =	vsub.s32 $0x5F3759DF, v22;
	v43 =	vsub.f32 $1.500000000e+00, v43;
	v47 =	vmul.f32 v47, v46  }
0x45: {  	v48 =	vld.idx.msk [tilespmem:v10+s5+$0x0], $0xffff;
	v53 =	vmul.f32 v52, v61;
	v38 =	vmul.f32 v60, v38  }
0x46: {  	v43 =	vmul.f32 v43, v45;
	v47 =	vsub.f32 $1.500000000e+00, v47  }
0x47: {  	v51 =	vld.idx.msk [tilespmem:v6+s5+$0x0], $0xffff;
	v62 =	vmul.f32 v52, v53;
	v38 =	vmul.f32 v38, v23  }
0x48: {  	v33 =	vmul.f32 v43, v33;
	v46 =	vmul.f32 v47, v46  }
0x49: {  	v22 =	vld.idx.msk [tilespmem:v5+s5+$0x0], $0xffff;
	v45 =	vsub.f32 $1.500000000e+00, v62;
	v58 =	vadd.f32 $9.999999970e-07, v38  }
0x4a: {  	v63 =	vmul.f32 $9.999999770e-03, v48;
	v59 =	vadd.f32 $9.999999970e-07, v33;
	v46 =	vmul.f32 v46, v32  }
0x4b: {  	v60 =	vld.idx.msk [tilespmem:v14+s5+$0x0], $0xffff;
	v45 =	vmul.f32 v52, v45;
	(erf) = vrcp.f32 v58  }
0x4c: {  	v57 =	vmul.f32 $9.999999770e-03, v51;
	v23 =	vld.idx.msk [tilespmem:v9+s5+$0x0], $0xffff;
	(erf) = vrcp.f32 v59  }
0x4d: {  	v49 =	vadd.f32 v63, v24;
	v24 =	vld.idx.msk [tilespmem:v13+s5+$0x0], $0xffff;
	v62 =	vadd.f32 $9.999999970e-07, v46;
	v61 =	vmul.f32 v45, v61  }
0x4e: {  	v36 =	vadd.f32 v57, v36;
	v53 =	vld.idx.msk [tilespmem:v18+s5+$0x0], $0xffff;
	v54 =	vmul.f32 $9.999999770e-03, v22;
	v38 =	vmul.f32 $1.000000000e+02, v38  }
0x4f: {  	vm3 =	veq.s32 v0, $0xF;
	v47 =	vld.idx.msk [tilespmem:v17+s5+$0x0], $0xffff;
	(erf) = vrcp.f32 v62;
	v57 =	vmul.f32 v61, v45  }
0x50: {  	v63 =	vmul.f32 $1.000000000e+02, v33;
	v32 =	vadd.f32 $-9.809999910e-02, v48;
	v33 =	vadd.f32 $-9.810000190e-04, v36  }
0x51: {  	v25 =	vadd.f32 v54, v25;
	v43 =	vmul.f32 $9.999999770e-03, v23;
	v58 =	vsub.f32 $1.500000000e+00, v57  }
0x52: {  	v52 =	vadd.f32 $-9.809999910e-02, v60;
	v59 =	vmul.f32 $9.999999770e-03, v60;
	v48 =	vmul.f32 $9.999999770e-03, v24  }
0x53: {  	v60 =	vadd.f32 $-1.000000000e+02, v38;
	v46 =	vmul.f32 $1.000000000e+02, v46;
	v45 =	vmul.f32 v58, v45  }
0x54: {  	v62 =	vadd.f32 $-1.000000000e+02, v63;
	v63 =	vmul.f32 $9.999999770e-03, v53;
	v61 =	vmul.f32 $9.999999770e-03, v47;
	v57 =	vpop (erf)  }
0x55: {  	v34 =	vadd.f32 v59, v34;
	v41 =	vmul.f32 v45, v41;
	v36 =	vmul.f32 v57, v60;
	v58 =	vpop (erf)  }
0x56: {  	v43 =	vadd.f32 v43, v28;
	v46 =	vadd.f32 $-1.000000000e+02, v46;
	v28 =	vmul.f32 v58, v62  }
0x57: {  	v35 =	vadd.f32 v61, v35;
	v59 =	vmul.f32 $1.000000000e+02, v41;
	v37 =	vmul.f32 v36, v37  }
0x58: {  	v41 =	vadd.f32 $9.999999970e-07, v41;
	v30 =	vmul.f32 v36, v30;
	v61 =	vpop (erf);
	v39 =	vmul.f32 v28, v39  }
0x59: {  	v28 =	vmul.f32 v28, v29;
	v60 =	vsel vm3, $0x0, v37;
	v37 =	vmul.f32 v61, v46  }
0x5a: {  	v27 =	vadd.f32 v63, v27;
	(erf) = vrcp.f32 v41;
	v63 =	vperm.xlane v60, v20  }
0x5b: {  	v29 =	vsel vm3, $0x0, v30;
	v30 =	vperm.xlane v39, v21;
	v46 =	vmul.f32 v37, v31  }
0x5c: {  	v62 =	vadd.f32 $-9.809999910e-02, v53;
	v53 =	vperm.xlane v39, v20;
	v50 =	vmul.f32 v37, v40  }
0x5d: {  	v31 =	vadd.f32 v48, v26;
	v26 =	vperm.xlane v28, v20;
	v54 =	vperm.xlane v46, v21  }
0x5e: {  	v51 =	vadd.f32 $-9.809999910e-02, v51;
	v56 =	vperm.xlane v29, v20;
	v57 =	vperm.xlane v28, v21  }
0x5f: {  	v30 =	vsel vm1, v30, v63;
	v55 =	vperm.xlane v50, v21;
	v26 =	vsel vm1, v54, v26  }
0x60: {  	v30 =	vsub.f32 v60, v30;
	v28 =	vsub.f32 v28, v26;
	v26 =	vsel vm1, v57, v56  }
0x61: {  	v34 =	vadd.f32 $-9.810000190e-04, v34;
	v59 =	vadd.f32 $-1.000000000e+02, v59  }
0x62: {  	v63 =	vperm.xlane v46, v20;
	v37 =	vsel vm1, v55, v53;
	v58 =	vmul.f32 $9.999999740e-05, v30  }
0x63: {  	v53 =	vperm.xlane v50, v20;
	v39 =	vsub.f32 v39, v37;
	v45 =	vsub.f32 v29, v26;
	v26 =	vpop (erf)  }
0x64: {  	v27 =	vadd.f32 $-9.810000190e-04, v27;
	v29 =	vmul.f32 $9.999999770e-03, v30;
	v30 =	vmul.f32 v26, v59  }
0x65: {  	v36 =	vadd.f32 $-9.810000190e-04, v49;
	v60 =	vmul.f32 $9.999999740e-05, v28;
	v37 =	vmul.f32 $9.999999740e-05, v39  }
0x66: {  	v29 =	vadd.f32 v29, v62;
	v61 =	vmul.f32 $9.999999740e-05, v45;
	v41 =	vmul.f32 v30, v42  }
0x67: {  	v26 =	vadd.f32 v58, v27;
	v58 =	vmul.f32 $9.999999770e-03, v39;
	v62 =	vmul.f32 v30, v44  }
0x68: {  	v27 =	vadd.f32 v60, v31;
	v60 =	vmul.f32 $9.999999770e-03, v45;
	v54 =	vperm.xlane v41, v21  }
0x69: {  	v30 =	vadd.f32 v37, v34;
	v37 =	vmul.f32 $9.999999770e-03, v28;
	v56 =	vperm.xlane v62, v20  }
0x6a: {  	v55 =	vperm.xlane v62, v21;
	v59 =	vperm.xlane v41, v20;
	v28 =	vsel vm1, v54, v63  }
0x6b: {  	v31 =	vadd.f32 v61, v35;
	v35 =	vsel vm1, v62, v56;
	v40 =	vsub.f32 v46, v28  }
0x6c: {  	v57 =	vsel vm1, v55, v53;
	v39 =	vsub.f32 v41, v59;
	v28 =	vsub.f32 v62, v35  }
0x6d: {  	v35 =	vadd.f32 v58, v52;
	v61 =	vsub.f32 v50, v57;
	v62 =	vmul.f32 $9.999999740e-05, v40  }
0x6e: {  	v39 =	vsel vm2, $0x0, v39;
	v63 =	vmul.f32 $9.999999770e-03, v28;
	v38 =	vmul.f32 $9.999999740e-05, v28  }
0x6f: {  	v28 =	vadd.f32 v60, v47;
	v41 =	vmul.f32 $9.999999740e-05, v61;
	v42 =	vmul.f32 $9.999999770e-03, v39  }
0x70: {  	s9 =	simm.s32 $0x31;
	v34 =	vadd.f32 v62, v43;
	v44 =	vadd.f32 v63, v51;
	v43 =	vmul.f32 $9.999999770e-03, v61  }
.LBB2_3:
0x71: {  	v45 =	vperm.xlane v26, v19;
	p0 =	sne.s32 s9, $0x1;
	s9 =	sadd.s32 $0xFFFFFFFF, s9;
	v39 =	vmul.f32 $9.999999740e-05, v39;
	v46 =	vadd.f32 v38, v33  }
0x72: {  	v47 =	vperm.xlane v30, v19;
	v48 =	vperm.xlane v27, v1;
	v33 =	vsel vm2, $0x0, v44  }
0x73: {  	v38 =	vperm.xlane v26, v1;
	v44 =	vperm.xlane v34, v1;
	v49 =	vadd.f32 v39, v25  }
0x74: {  	v50 =	vperm.xlane v31, v1;
	v32 =	vadd.f32 v43, v32;
	v25 =	vperm.xlane v31, v19  }
0x75: {  	v43 =	vperm.xlane v27, v19;
	v22 =	vadd.f32 v42, v22;
	v39 =	vsub.f32 v38, v26  }
0x76: {  	v40 =	vmul.f32 $9.999999770e-03, v40;
	v38 =	vsub.f32 v50, v31;
	v50 =	vadd.f32 v41, v36  }
0x77: {  	v24 =	vadd.f32 v37, v24;
	v36 =	vperm.xlane v30, v1;
	v25 =	vsel vm0, v48, v25  }
0x78: {  	v23 =	vadd.f32 v40, v23;
	v41 =	vperm.xlane v50, v1;
	v37 =	vsub.f32 v25, v27  }
0x79: {  	v25 =	vsel vm0, v36, v45;
	v36 =	vmul.f32 v39, v39;
	v45 =	vsel vm2, $0x0, v46  }
0x7a: {  	v40 =	vsel vm0, v44, v43;
	v41 =	vsel vm0, v41, v47;
	v42 =	vsub.f32 v25, v30  }
0x7b: {  	v40 =	vsub.f32 v40, v34;
	v43 =	vmul.f32 v38, v38;
	v25 =	vmul.f32 v37, v37  }
0x7c: {  	v44 =	vmul.f32 $9.999999770e-03, v32;
	v41 =	vsub.f32 v41, v50;
	v46 =	vmul.f32 v42, v42  }
0x7d: {  	v47 =	vmul.f32 $9.999999770e-03, v33;
	v48 =	vmul.f32 v40, v40;
	v51 =	vadd.f32 v36, v43  }
0x7e: {  	v43 =	vmul.f32 $9.999999770e-03, v22;
	v52 =	vmul.f32 v41, v41;
	v46 =	vadd.f32 v46, v25  }
0x7f: {  	v36 =	vadd.f32 v44, v50;
	v53 =	vmul.f32 $5.000000000e-01, v51;
	v25 =	vshra.s32 v51, $0x1  }
0x80: {  	v55 =	vsub.s32 $0x5F3759DF, v25;
	v44 =	vshra.s32 v46, $0x1;
	v54 =	vmul.f32 $5.000000000e-01, v46  }
0x81: {  	v48 =	vadd.f32 v52, v48;
	v25 =	vmul.f32 v55, v53;
	v52 =	vsub.s32 $0x5F3759DF, v44  }
0x82: {  	v47 =	vadd.f32 v47, v45;
	v44 =	vperm.xlane v34, v19;
	v56 =	vmul.f32 v52, v54  }
0x83: {  	v59 =	vmul.f32 $9.999999770e-03, v23;
	v57 =	vshra.s32 v48, $0x1;
	v58 =	vmul.f32 $5.000000000e-01, v48  }
0x84: {  	v57 =	vsub.s32 $0x5F3759DF, v57;
	v60 =	vmul.f32 v55, v25;
	v56 =	vmul.f32 v52, v56  }
0x85: {  	v61 =	vperm.xlane v49, v1;
	v50 =	vperm.xlane v50, v19;
	v25 =	vadd.f32 v43, v49  }
0x86: {  	v43 =	vperm.xlane v45, v1;
	v60 =	vsub.f32 $1.500000000e+00, v60;
	v56 =	vsub.f32 $1.500000000e+00, v56  }
0x87: {  	v62 =	vmul.f32 v57, v58  }
0x88: {  	v44 =	vsel vm0, v61, v44;
	v50 =	vsel vm0, v43, v50;
	v55 =	vmul.f32 v55, v60  }
0x89: {  	v43 =	vsub.f32 v44, v49;
	v44 =	vsub.f32 v50, v45;
	v45 =	vmul.f32 v57, v62  }
0x8a: {  	v49 =	vmul.f32 v52, v56;
	v50 =	vmul.f32 v55, v53  }
0x8b: {  	v45 =	vsub.f32 $1.500000000e+00, v45;
	v52 =	vmul.f32 v43, v43;
	v53 =	vmul.f32 v44, v44  }
0x8c: {  	v54 =	vmul.f32 v49, v54;
	v50 =	vmul.f32 v50, v55  }
0x8d: {  	v45 =	vmul.f32 v57, v45;
	v52 =	vadd.f32 v53, v52  }
0x8e: {  	v53 =	vmul.f32 v54, v49;
	v50 =	vsub.f32 $1.500000000e+00, v50  }
0x8f: {  	v54 =	vshra.s32 v52, $0x1;
	v56 =	vmul.f32 $5.000000000e-01, v52  }
0x90: {  	v57 =	vmul.f32 v45, v58;
	v54 =	vsub.s32 $0x5F3759DF, v54;
	v53 =	vsub.f32 $1.500000000e+00, v53  }
0x91: {  	v58 =	vmul.f32 v54, v56;
	v50 =	vmul.f32 v50, v55  }
0x92: {  	v55 =	vmul.f32 v57, v45;
	v49 =	vmul.f32 v53, v49  }
0x93: {  	v53 =	vmul.f32 v54, v58;
	v50 =	vmul.f32 v50, v51  }
0x94: {  	v51 =	vsub.f32 $1.500000000e+00, v55;
	v46 =	vmul.f32 v49, v46  }
0x95: {  	v49 =	vsub.f32 $1.500000000e+00, v53;
	v53 =	vmul.f32 $1.000000000e+02, v50;
	v50 =	vadd.f32 $9.999999970e-07, v50  }
0x96: {  	v45 =	vmul.f32 v51, v45;
	v51 =	vmul.f32 $1.000000000e+02, v46;
	v46 =	vadd.f32 $9.999999970e-07, v46  }
0x97: {  	v49 =	vmul.f32 v54, v49;
	(erf) = vrcp.f32 v50  }
0x98: {  	v48 =	vmul.f32 v45, v48;
	(erf) = vrcp.f32 v46  }
0x99: {  	v45 =	vmul.f32 v49, v56  }
0x9a: {  	v46 =	vadd.f32 $9.999999970e-07, v48  }
0x9b: {  	v50 =	vmul.f32 v45, v49  }
0x9c: {  	v32 =	vadd.f32 $-9.809999910e-02, v32;
	v45 =	vadd.f32 $-9.809999910e-02, v33;
	(erf) = vrcp.f32 v46  }
0x9d: {  	v46 =	vsub.f32 $1.500000000e+00, v50;
	v50 =	vmul.f32 $9.999999770e-03, v35;
	v35 =	vadd.f32 $-9.809999910e-02, v35  }
0x9e: {  	v54 =	vmul.f32 $9.999999770e-03, v28;
	v33 =	vadd.f32 $-9.810000190e-04, v47;
	v47 =	vadd.f32 $-1.000000000e+02, v53  }
0x9f: {  	v46 =	vmul.f32 v46, v49;
	v49 =	vmul.f32 $9.999999770e-03, v24;
	v30 =	vadd.f32 v50, v30  }
0xa0: {  	v31 =	vadd.f32 v54, v31;
	v50 =	vadd.f32 $-1.000000000e+02, v51;
	v51 =	vmul.f32 $9.999999770e-03, v29;
	v53 =	vpop (erf)  }
0xa1: {  	v46 =	vmul.f32 v46, v52;
	v30 =	vadd.f32 $-9.810000190e-04, v30;
	v47 =	vmul.f32 v53, v47;
	v52 =	vpop (erf)  }
0xa2: {  	v34 =	vadd.f32 v59, v34;
	v48 =	vmul.f32 $1.000000000e+02, v48;
	v50 =	vmul.f32 v52, v50  }
0xa3: {  	v52 =	vmul.f32 $1.000000000e+02, v46;
	v53 =	vadd.f32 $9.999999970e-07, v46;
	v39 =	vmul.f32 v47, v39  }
0xa4: {  	v48 =	vadd.f32 $-1.000000000e+02, v48;
	v26 =	vadd.f32 v51, v26;
	v42 =	vmul.f32 v50, v42  }
0xa5: {  	v38 =	vmul.f32 v47, v38;
	v39 =	vsel vm3, $0x0, v39;
	(erf) = vrcp.f32 v53;
	v46 =	vpop (erf)  }
0xa6: {  	v29 =	vadd.f32 $-9.809999910e-02, v29;
	v46 =	vmul.f32 v46, v48;
	v47 =	vperm.xlane v39, v20  }
0xa7: {  	v37 =	vmul.f32 v50, v37;
	v38 =	vsel vm3, $0x0, v38;
	v48 =	vperm.xlane v42, v21  }
0xa8: {  	v27 =	vadd.f32 v49, v27;
	v40 =	vmul.f32 v46, v40;
	v41 =	vmul.f32 v46, v41  }
0xa9: {  	v49 =	vperm.xlane v42, v20;
	v46 =	vperm.xlane v37, v20;
	v47 =	vsel vm1, v48, v47  }
0xaa: {  	v39 =	vsub.f32 v39, v47;
	v48 =	vperm.xlane v40, v21;
	v50 =	vperm.xlane v41, v21  }
0xab: {  	v26 =	vadd.f32 $-9.810000190e-04, v26;
	v51 =	vperm.xlane v37, v21;
	v47 =	vperm.xlane v38, v20  }
0xac: {  	v53 =	vsel vm1, v48, v46;
	v48 =	vsel vm1, v50, v49;
	v49 =	vmul.f32 $9.999999740e-05, v39  }
0xad: {  	v47 =	vsel vm1, v51, v47;
	v50 =	vadd.f32 $-1.000000000e+02, v52;
	v37 =	vsub.f32 v37, v53  }
0xae: {  	v38 =	vsub.f32 v38, v47;
	v39 =	vmul.f32 $9.999999770e-03, v39;
	v42 =	vsub.f32 v42, v48;
	v46 =	vpop (erf)  }
0xaf: {  	v26 =	vadd.f32 v49, v26;
	v46 =	vmul.f32 v46, v50;
	v47 =	vmul.f32 $9.999999740e-05, v37  }
0xb0: {  	v29 =	vadd.f32 v39, v29;
	v39 =	vmul.f32 $9.999999740e-05, v38;
	v48 =	vmul.f32 $9.999999740e-05, v42  }
0xb1: {  	v43 =	vmul.f32 v46, v43;
	v44 =	vmul.f32 v46, v44;
	v27 =	vadd.f32 v47, v27  }
0xb2: {  	v46 =	vperm.xlane v40, v20;
	v47 =	vperm.xlane v41, v20;
	v30 =	vadd.f32 v48, v30  }
0xb3: {  	v31 =	vadd.f32 v39, v31;
	v48 =	vperm.xlane v43, v21;
	v49 =	vperm.xlane v44, v21  }
0xb4: {  	v36 =	vadd.f32 $-9.810000190e-04, v36;
	v37 =	vmul.f32 $9.999999770e-03, v37;
	v39 =	vperm.xlane v44, v20  }
0xb5: {  	v42 =	vmul.f32 $9.999999770e-03, v42;
	v46 =	vsel vm1, v48, v46;
	v47 =	vsel vm1, v49, v47  }
0xb6: {  	v48 =	vperm.xlane v43, v20;
	v39 =	vsel vm1, v44, v39;
	v40 =	vsub.f32 v40, v46  }
.Ltmp1:
0xb7: {  	v35 =	vadd.f32 v42, v35;
	v42 =	vmul.f32 $9.999999770e-03, v38;
	v39 =	vsub.f32 v44, v39;
	(pc) =	sbr.rel @p0 .LBB2_3-.Ltmp1, $4  }
0xb8: {  	v46 =	vsub.f32 v41, v47;
	v43 =	vsub.f32 v43, v48;
	v41 =	vmul.f32 $9.999999740e-05, v40  }
0xb9: {  	v28 =	vadd.f32 v42, v28;
	v44 =	vmul.f32 $9.999999770e-03, v39;
	v38 =	vmul.f32 $9.999999740e-05, v39  }
0xba: {  	v39 =	vsel vm2, $0x0, v43;
	v34 =	vadd.f32 v41, v34;
	v41 =	vmul.f32 $9.999999740e-05, v46  }
0xbb: {  	v43 =	vmul.f32 $9.999999770e-03, v46;
	v42 =	vmul.f32 $9.999999770e-03, v39;
	v44 =	vadd.f32 v44, v45  }
0xbc: {  	v22 =	vmul.f32 $9.999999740e-05, v39;
	v23 =	vor.u32 $0x1, v2  }
0xbd: {  	v24 =	vor.u32 $0x20, v2  }
0xbe: {  	v28 =	vadd.f32 v38, v33;
	v61 =	vor.u32 $0x21, v2;
	v22 =	vadd.f32 v22, v25  }
0xbf: {  	v29 =	vor.u32 $0x40, v2  }
0xc0: {  	v28 =	vsel vm2, $0x0, v28;
	[tilespmem:v2+s7+$0x0] =	vst.idx.msk $0xffff, v22;
	v22 =	vor.u32 $0x41, v2  }
0xc1: {  	v62 =	vor.u32 $0x60, v2;
	[tilespmem:v23+s7+$0x0] =	vst.idx.msk $0xffff, v28;
	v23 =	vadd.f32 v41, v36  }
0xc2: {  	v63 =	vor.u32 $0x61, v2;
	[tilespmem:v24+s7+$0x0] =	vst.idx.msk $0xffff, v34  }
0xc3: {  	[tilespmem:v61+s7+$0x0] =	vst.idx.msk $0xffff, v23  }
0xc4: {  	[tilespmem:v29+s7+$0x0] =	vst.idx.msk $0xffff, v27  }
0xc5: {  	s8 =	sadd.s32 $0x1, s8;
	[tilespmem:v22+s7+$0x0] =	vst.idx.msk $0xffff, v30  }
0xc6: {  	p0 =	sne.s32 s8, s4;
	[tilespmem:v62+s7+$0x0] =	vst.idx.msk $0xffff, v31  }
.Ltmp2:
0xc7: {  	[tilespmem:v63+s7+$0x0] =	vst.idx.msk $0xffff, v26;
	(pc) =	sbr.rel @p0 .LBB2_2-.Ltmp2, $4  }
0xc8: {  	[hbm4b:s3+s5] =	stream.linear.scatter [tilespmem:s7], [sflag:$0x1], $0x80, $0x38;
	[tilespmem:$0x180] =	vst v63  }
0xc9: {  	_ =	swait.ge [sflag:s6], $0x80  }
0xca: {  	[sflag:s6] =	ssyncset.done $0x0  }
0xcb: {  	[sflag:s6] =	ssyncadd.s32 $0xFFFFFF80  }
.LBB2_5:
0xcc: {  	_ =	sfence.sel $0x180000  }
0xcd: {  	[bflag:$0x0] =	sbarrier.arrive $0xFFFF  }
0xce: {  	p0 =	sne.s32 s0, $0x0;
	_ =	strace $0x90000047  }
0xcf: {  	s0 =	sadd.s32 @!p0 $0x100000, s1;
	[bflag:$0x2] =	sbarrier.arrive $0xFFFF  }
0xd0: {  	[sflag:s0] =	ssyncadd.tile.s32 @!p0 $0x1;
	_ =	shalt  }
.Lfunc_end2:
_tile_overlayer_lowered:
.L_overlay_start_2:
0xd1: {  	(tag) =	ssettag $0x2  }
0xd2: {  	s0 =	rddreg [dreg:$0x0];
	s2 =	stileid.u32  }
0xd3: {  	s1 =	rddreg [dreg:$0x1];
	p0 =	sne.s32 s2, $0x0  }
0xd4: {  	s3 =	rddreg [dreg:$0x2];
	[bflag:$0x3] =	sbarrier.arrive $0xFFFF;
	s2 =	simm.s32 @!p0 $0x1C01  }
0xd5: {  	[timem:s3], [sflag:s2] =	dma.local @!p0 [hbm:s0], s1  }
0xd6: {  	s0 =	simm.s32 @!p0 $0x1  }
0xd7: {  	_ =	swait.ge @!p0 [sflag:s0], s1  }
0xd8: {  	s1 =	ssub.s32 @!p0 $0x0, s1;
	[sflag:s0] =	ssyncset.done @!p0 $0x0  }
0xd9: {  	[sflag:s0] =	ssyncadd.s32 @!p0 s1  }
0xda: {  	[bflag:$0x3] =	sbarrier.arrive $0xFFFF  }
0xdb: {  	_ =	shalt  }

</sc_bundles>
